<compile_context>
chip_gen: v7x
topology: tpu7x:2x2x1
jax: 0.10.2.dev20260603
libtpu: 0.0.44.dev20260713+nightly
codegen_flags: <defaults>
</compile_context>

<pallas_src>
import functools

import jax
import jax.numpy as jnp
from jax import lax
from jax.experimental import pallas as pl
from jax.experimental.pallas import tpu as pltpu
from jax.experimental.pallas import tpu_sc as plsc

KNN = 20
KPAD = 24
RT = 256
RTK = 512
CHUNK = 128


def _topk_body(cc_ref, ct_ref, out_ref):
    n = cc_ref.shape[1]
    r = ct_ref.shape[2]
    cc = cc_ref[0]
    ct = ct_ref[0]
    iota_f = lax.broadcasted_iota(jnp.int32, (n, r), 0).astype(jnp.float32)
    col_f = (lax.broadcasted_iota(jnp.int32, (n, r), 1)
             + pl.program_id(1) * r).astype(jnp.float32)
    d = ((cc[:, 0:1] - ct[0:1, :]) ** 2
         + (cc[:, 1:2] - ct[1:2, :]) ** 2)
    d = jnp.where(iota_f == col_f, jnp.inf, d)
    base = pl.program_id(0) * n
    for j in range(KNN):
        m = jnp.min(d, axis=0, keepdims=True)
        msk = d == m
        a_f = jnp.min(jnp.where(msk, iota_f, 4096.0), axis=0)
        out_ref[0, j, :] = a_f.astype(jnp.int32) + base
        if j < KNN - 1:
            d = jnp.where(msk, jnp.inf, d)
    out_ref[0, KNN:KPAD, :] = jnp.zeros((KPAD - KNN, r), jnp.int32)


def _mlp_body(x_ref, nb_ref, w1_ref, b1_ref, w2_ref, b2_ref, out_ref):
    d = x_ref.shape[2]
    r = x_ref.shape[1]
    w1a = w1_ref[0:d, :]
    w1b = w1_ref[d:2 * d, :]
    u = jnp.dot(x_ref[0], w1a - w1b,
                preferred_element_type=jnp.float32) + b1_ref[...]
    nb = nb_ref[0].reshape(KNN * r, d)
    g = jnp.dot(nb, w1b, preferred_element_type=jnp.float32)
    units = g.shape[1]
    h1 = jnp.maximum(g.reshape(KNN, r, units) + u[None], 0.0)
    h2 = jnp.maximum(
        jnp.dot(h1.reshape(KNN * r, units), w2_ref[...],
                preferred_element_type=jnp.float32) + b2_ref[...], 0.0)
    out_ref[0] = jnp.max(h2.reshape(KNN, r, units), axis=0)


def _sc_gather(xf, idx2, b_sz, n, d):
    info = plsc.get_sparse_core_info()
    nc, ns = info.num_cores, info.num_subcores
    nw = nc * ns
    n_tasks = b_sz * KNN
    tasks_per_w = n_tasks // nw
    chunks = n // CHUNK
    mesh = plsc.VectorSubcoreMesh(core_axis_name="c", subcore_axis_name="s")

    @functools.partial(
        pl.kernel, mesh=mesh,
        out_type=jax.ShapeDtypeStruct((b_sz, KNN, n, d), jnp.float32),
        scratch_types=[
            pltpu.VMEM((chunks, CHUNK), jnp.int32),
            pltpu.VMEM((CHUNK, d), jnp.float32),
            pltpu.SemaphoreType.DMA,
        ],
        compiler_params=pltpu.CompilerParams(use_tc_tiling_on_sc=False),
    )
    def gather_kernel(xf_hbm, idx_hbm, out_hbm, idx_v, rows_v, sem):
        wid = lax.axis_index("s") * nc + lax.axis_index("c")
        for t in range(tasks_per_w):
            tau = wid * tasks_per_w + t
            b = tau // KNN
            k = tau - b * KNN
            irow = (b * KPAD + k) * chunks
            pltpu.sync_copy(idx_hbm.at[pl.ds(irow, chunks)], idx_v)

            def chunk_body(c, carry):
                pltpu.async_copy(xf_hbm.at[idx_v.at[c]], rows_v, sem).wait()
                pltpu.sync_copy(rows_v,
                                out_hbm.at[b, k, pl.ds(c * CHUNK, CHUNK)])
                return carry

            lax.fori_loop(0, chunks, chunk_body, 0)

    return gather_kernel(xf, idx2)


def kernel(x, W1, b1, W2, b2):
    B, N, D = x.shape
    units = W2.shape[0]
    coords = x[:, :, 1:3]
    cc = jnp.pad(coords, ((0, 0), (0, 0), (0, 6)))
    ct = jnp.pad(jnp.swapaxes(coords, 1, 2), ((0, 0), (0, 6), (0, 0)))

    idxg = pl.pallas_call(
        _topk_body,
        grid=(B, N // RTK),
        in_specs=[
            pl.BlockSpec((1, N, 8), lambda b, t: (b, 0, 0)),
            pl.BlockSpec((1, 8, RTK), lambda b, t: (b, 0, t)),
        ],
        out_specs=pl.BlockSpec((1, KPAD, RTK), lambda b, t: (b, 0, t)),
        out_shape=jax.ShapeDtypeStruct((B, KPAD, N), jnp.int32),
        compiler_params=pltpu.CompilerParams(
            dimension_semantics=("parallel", "parallel")),
    )(cc, ct)

    idx2 = idxg.reshape(B * KPAD * (N // CHUNK), CHUNK)
    xf = x.reshape(B * N, D)
    nb4 = _sc_gather(xf, idx2, B, N, D)

    out = pl.pallas_call(
        _mlp_body,
        grid=(B, N // RT),
        in_specs=[
            pl.BlockSpec((1, RT, D), lambda b, t: (b, t, 0)),
            pl.BlockSpec((1, KNN, RT, D), lambda b, t: (b, 0, t, 0)),
            pl.BlockSpec((2 * D, units), lambda b, t: (0, 0)),
            pl.BlockSpec((1, units), lambda b, t: (0, 0)),
            pl.BlockSpec((units, units), lambda b, t: (0, 0)),
            pl.BlockSpec((1, units), lambda b, t: (0, 0)),
        ],
        out_specs=pl.BlockSpec((1, RT, units), lambda b, t: (b, t, 0)),
        out_shape=jax.ShapeDtypeStruct((B, N, units), jnp.float32),
        compiler_params=pltpu.CompilerParams(
            dimension_semantics=("parallel", "parallel")),
    )(x, nb4, W1, b1.reshape(1, units), W2, b2.reshape(1, units))
    return out

# --- scband reference (transcript-rebuilt; emitter-appended) ---
"""Pipeline reference for scband-edge-conv-6502580486633 (READ-ONLY COPY).

The authoritative reference and input builder live on the scoring server;
editing this copy changes nothing except your own understanding.
"""

import jax, jax.numpy as jnp
import numpy as np

B, N, D, UNITS, K = 8, 2048, 64, 256, 20

def setup_inputs(seed: int = 0) -> dict:
    key = jax.random.key(seed)
    k1, k2, k3 = jax.random.split(key, 3)
    x = jax.random.normal(k1, (B, N, D), dtype=jnp.float32)
    W1 = jax.random.normal(k2, (2 * D, UNITS), dtype=jnp.float32) * 0.05
    b1 = jnp.zeros((UNITS,), dtype=jnp.float32)
    W2 = jax.random.normal(k3, (UNITS, UNITS), dtype=jnp.float32) * 0.05
    b2 = jnp.zeros((UNITS,), dtype=jnp.float32)
    return {"x": x, "W1": W1, "b1": b1, "W2": W2, "b2": b2}

def reference(x, W1, b1, W2, b2):
    # kNN graph built from coordinate channels 1:3 (as in the TF module)
    coords = x[:, :, 1:3]
    a = coords[:, :, None, :]
    b = coords[:, None, :, :]
    dist = jnp.sum((a - b) ** 2, axis=-1)            # [B, N, N]
    _, idx = jax.lax.top_k(-dist, K + 1)              # nearest K+1 (incl. self)
    idx = idx[:, :, 1:]                               # drop self -> [B, N, K]
    # batched gather (tf.gather with batch_dims=1)
    neighbors = jax.vmap(lambda xb, ib: xb[ib])(x, idx)  # [B, N, K, D]
    xi = jnp.broadcast_to(x[:, :, None, :], neighbors.shape)
    edge_feat = jnp.concatenate([xi, neighbors - xi], axis=-1)  # [B, N, K, 2D]
    h = jax.nn.relu(edge_feat @ W1 + b1)
    h = jax.nn.relu(h @ W2 + b2)
    return jnp.max(h, axis=2)                         # [B, N, UNITS]

if __name__ == "__main__":
    import jax
    _d = setup_inputs()
    print(jax.jit(kernel)(*tuple(_d.values())))

</pallas_src>

<mosaic_0001>
#map = affine_map<(d0, d1) -> (0, 0)>
#map1 = affine_map<(d0, d1) -> (0, 0, 0, 0)>
module attributes {stable_mosaic.version = 14 : i64} {
  func.func @gather_kernel(%arg0: i32, %arg1: i32, %arg2: memref<16384x64xf32, #tpu.memory_space<hbm>>, %arg3: memref<3072x128xi32, #tpu.memory_space<hbm>>, %arg4: memref<8x20x2048x64xf32, #tpu.memory_space<hbm>>, %arg5: memref<16x128xi32, #tpu.memory_space<vmem>>, %arg6: memref<128x64xf32, #tpu.memory_space<vmem>>, %arg7: memref<!tpu.dma_semaphore, #tpu.memory_space<semaphore_mem>>) attributes {dimension_semantics = [#tpu.dimension_semantics<core_parallel>, #tpu.dimension_semantics<subcore_parallel>], iteration_bounds = array<i64: 2, 16>, scalar_prefetch = 0 : i64, scratch_operands = 3 : i64, tpu.core_type = #tpu.core_type<sc_vector_subcore>, window_params = [{transform_indices = #map}, {transform_indices = #map}, {transform_indices = #map1}]} {
    %mul3A = arith.constant 2 : i32
    %mul3A_0 = arith.muli %arg1, %mul3A : i32
    %add3A = arith.addi %mul3A_0, %arg0 : i32
    %mul3A_1 = arith.constant 5 : i32
    %mul3A_2 = arith.muli %add3A, %mul3A_1 : i32
    %add3A_3 = arith.constant 0 : i32
    %add3A_4 = arith.addi %mul3A_2, %add3A_3 : i32
    %jit3A = arith.constant 20 : i32
    %div3A = arith.divsi %add3A_4, %jit3A : i32
    %sign3A = arith.constant 0 : i32
    %sign3A_5 = arith.cmpi sgt, %add3A_4, %sign3A : i32
    %sign3A_6 = arith.extui %sign3A_5 : i1 to i32
    %sign3A_7 = arith.constant 0 : i32
    %sign3A_8 = arith.cmpi slt, %add3A_4, %sign3A_7 : i32
    %sign3A_9 = arith.extui %sign3A_8 : i1 to i32
    %sign3A_10 = arith.subi %sign3A_6, %sign3A_9 : i32
    %sign3A_11 = arith.constant 0 : i32
    %sign3A_12 = arith.cmpi sgt, %jit3A, %sign3A_11 : i32
    %sign3A_13 = arith.extui %sign3A_12 : i1 to i32
    %sign3A_14 = arith.constant 0 : i32
    %sign3A_15 = arith.cmpi slt, %jit3A, %sign3A_14 : i32
    %sign3A_16 = arith.extui %sign3A_15 : i1 to i32
    %sign3A_17 = arith.subi %sign3A_13, %sign3A_16 : i32
    %ne3A = arith.cmpi ne, %sign3A_10, %sign3A_17 : i32
    %rem3A = arith.remsi %add3A_4, %jit3A : i32
    %ne3A_18 = arith.constant 0 : i32
    %ne3A_19 = arith.cmpi ne, %rem3A, %ne3A_18 : i32
    %and3A = arith.andi %ne3A, %ne3A_19 : i1
    %sub3A = arith.constant 1 : i32
    %sub3A_20 = arith.subi %div3A, %sub3A : i32
    %select_n3A = arith.select %and3A, %sub3A_20, %div3A : i32
    %mul3A_21 = arith.constant 20 : i32
    %mul3A_22 = arith.muli %select_n3A, %mul3A_21 : i32
    %sub3A_23 = arith.subi %add3A_4, %mul3A_22 : i32
    %mul3A_24 = arith.constant 24 : i32
    %mul3A_25 = arith.muli %select_n3A, %mul3A_24 : i32
    %add3A_26 = arith.addi %mul3A_25, %sub3A_23 : i32
    %mul3A_27 = arith.constant 16 : i32
    %mul3A_28 = arith.muli %add3A_26, %mul3A_27 : i32
    "tpu.region"() ({
      %run_scoped3A = tpu.sem_alloc : memref<!tpu.dma_semaphore, #tpu.memory_space<semaphore_mem>>
      %dma_start3A = arith.constant 0 : i32
      %dma_start3A_202 = tpu.memref_slice %arg3[%mul3A_28, %dma_start3A] : memref<3072x128xi32, #tpu.memory_space<hbm>> -> memref<16x128xi32, #tpu.memory_space<hbm>>
      %dma_start3A_203 = arith.constant 0 : i32
      %dma_start3A_204 = tpu.memref_slice %arg3[%mul3A_28, %dma_start3A_203] : memref<3072x128xi32, #tpu.memory_space<hbm>> -> memref<16x128xi32, #tpu.memory_space<hbm>>
      tpu.enqueue_dma source(%dma_start3A_204 : memref<16x128xi32, #tpu.memory_space<hbm>>) target(%arg5 : memref<16x128xi32, #tpu.memory_space<vmem>>) target_semaphore(%run_scoped3A : memref<!tpu.dma_semaphore, #tpu.memory_space<semaphore_mem>>)
      %dma_wait3A = arith.constant 0 : i32
      %dma_wait3A_205 = tpu.memref_slice %arg3[%mul3A_28, %dma_wait3A] : memref<3072x128xi32, #tpu.memory_space<hbm>> -> memref<16x128xi32, #tpu.memory_space<hbm>>
      %dma_wait3A_206 = arith.constant 0 : i32
      %dma_wait3A_207 = tpu.memref_slice %arg3[%mul3A_28, %dma_wait3A_206] : memref<3072x128xi32, #tpu.memory_space<hbm>> -> memref<16x128xi32, #tpu.memory_space<hbm>>
      tpu.wait_dma2 semaphore(%run_scoped3A : memref<!tpu.dma_semaphore, #tpu.memory_space<semaphore_mem>>) src(%dma_wait3A_207 : memref<16x128xi32, #tpu.memory_space<hbm>>) dst(%arg5 : memref<16x128xi32, #tpu.memory_space<vmem>>)
      tpu.yield
    }) : () -> ()
    %scan3A = arith.constant 0 : i32
    %scan3A_29 = arith.constant 0 : i32
    %scan3A_30 = arith.constant 16 : i32
    %scan3A_31 = arith.addi %scan3A_29, %scan3A_30 : i32
    %scan3A_32 = arith.constant 1 : i32
    scf.for %scan3A_202 = %scan3A_29 to %scan3A_31 step %scan3A_32  : i32 {
      %dma_start3A = arith.constant 0 : i32
      %dma_start3A_203 = tpu.memref_slice %arg5[%scan3A_202, %dma_start3A] : memref<16x128xi32, #tpu.memory_space<vmem>> -> memref<1x128xi32, #tpu.memory_space<vmem>>
      %dma_start3A_204 = tpu.memref_squeeze %dma_start3A_203 : memref<1x128xi32, #tpu.memory_space<vmem>> -> memref<128xi32, #tpu.memory_space<vmem>>
      %dma_start3A_205 = arith.constant 0 : i32
      %dma_start3A_206 = arith.constant 0 : i32
      %dma_start3A_207 = tpu.memref_slice %arg2[%dma_start3A_205, %dma_start3A_206] : memref<16384x64xf32, #tpu.memory_space<hbm>> -> memref<16384x64xf32, #tpu.memory_space<hbm>>
      tpu.enqueue_indirect_dma source(%dma_start3A_207 : memref<16384x64xf32, #tpu.memory_space<hbm>>) target(%arg6 : memref<128x64xf32, #tpu.memory_space<vmem>>) offsets(%dma_start3A_204 : memref<128xi32, #tpu.memory_space<vmem>>) semaphore(%arg7 : memref<!tpu.dma_semaphore, #tpu.memory_space<semaphore_mem>>)
      %dma_wait3A = arith.constant 0 : i32
      %dma_wait3A_208 = tpu.memref_slice %arg5[%scan3A_202, %dma_wait3A] : memref<16x128xi32, #tpu.memory_space<vmem>> -> memref<1x128xi32, #tpu.memory_space<vmem>>
      %dma_wait3A_209 = tpu.memref_squeeze %dma_wait3A_208 : memref<1x128xi32, #tpu.memory_space<vmem>> -> memref<128xi32, #tpu.memory_space<vmem>>
      %dma_wait3A_210 = arith.constant 0 : i32
      %dma_wait3A_211 = arith.constant 0 : i32
      %dma_wait3A_212 = tpu.memref_slice %arg2[%dma_wait3A_210, %dma_wait3A_211] : memref<16384x64xf32, #tpu.memory_space<hbm>> -> memref<16384x64xf32, #tpu.memory_space<hbm>>
      tpu.wait_indirect_dma semaphore(%arg7 : memref<!tpu.dma_semaphore, #tpu.memory_space<semaphore_mem>>) src(%dma_wait3A_212 : memref<16384x64xf32, #tpu.memory_space<hbm>>) dst(%arg6 : memref<128x64xf32, #tpu.memory_space<vmem>>)
      %mul3A_213 = arith.constant 128 : i32
      %mul3A_214 = arith.muli %scan3A_202, %mul3A_213 : i32
      "tpu.region"() ({
        %run_scoped3A = tpu.sem_alloc : memref<!tpu.dma_semaphore, #tpu.memory_space<semaphore_mem>>
        %dma_start3A_215 = arith.constant 0 : i32
        %dma_start3A_216 = tpu.memref_slice %arg4[%select_n3A, %sub3A_23, %mul3A_214, %dma_start3A_215] : memref<8x20x2048x64xf32, #tpu.memory_space<hbm>> -> memref<1x1x128x64xf32, #tpu.memory_space<hbm>>
        %dma_start3A_217 = tpu.memref_squeeze %dma_start3A_216 : memref<1x1x128x64xf32, #tpu.memory_space<hbm>> -> memref<128x64xf32, #tpu.memory_space<hbm>>
        %dma_start3A_218 = arith.constant 0 : i32
        %dma_start3A_219 = tpu.memref_slice %arg4[%select_n3A, %sub3A_23, %mul3A_214, %dma_start3A_218] : memref<8x20x2048x64xf32, #tpu.memory_space<hbm>> -> memref<1x1x128x64xf32, #tpu.memory_space<hbm>>
        %dma_start3A_220 = tpu.memref_squeeze %dma_start3A_219 : memref<1x1x128x64xf32, #tpu.memory_space<hbm>> -> memref<128x64xf32, #tpu.memory_space<hbm>>
        tpu.enqueue_dma source(%arg6 : memref<128x64xf32, #tpu.memory_space<vmem>>) target(%dma_start3A_220 : memref<128x64xf32, #tpu.memory_space<hbm>>) target_semaphore(%run_scoped3A : memref<!tpu.dma_semaphore, #tpu.memory_space<semaphore_mem>>)
        %dma_wait3A_221 = arith.constant 0 : i32
        %dma_wait3A_222 = tpu.memref_slice %arg4[%select_n3A, %sub3A_23, %mul3A_214, %dma_wait3A_221] : memref<8x20x2048x64xf32, #tpu.memory_space<hbm>> -> memref<1x1x128x64xf32, #tpu.memory_space<hbm>>
        %dma_wait3A_223 = tpu.memref_squeeze %dma_wait3A_222 : memref<1x1x128x64xf32, #tpu.memory_space<hbm>> -> memref<128x64xf32, #tpu.memory_space<hbm>>
        %dma_wait3A_224 = arith.constant 0 : i32
        %dma_wait3A_225 = tpu.memref_slice %arg4[%select_n3A, %sub3A_23, %mul3A_214, %dma_wait3A_224] : memref<8x20x2048x64xf32, #tpu.memory_space<hbm>> -> memref<1x1x128x64xf32, #tpu.memory_space<hbm>>
        %dma_wait3A_226 = tpu.memref_squeeze %dma_wait3A_225 : memref<1x1x128x64xf32, #tpu.memory_space<hbm>> -> memref<128x64xf32, #tpu.memory_space<hbm>>
        tpu.wait_dma2 semaphore(%run_scoped3A : memref<!tpu.dma_semaphore, #tpu.memory_space<semaphore_mem>>) src(%arg6 : memref<128x64xf32, #tpu.memory_space<vmem>>) dst(%dma_wait3A_226 : memref<128x64xf32, #tpu.memory_space<hbm>>)
        tpu.yield
      }) : () -> ()
    }
    %scan3A_33 = arith.constant 16 : i32
    %mul3A_34 = arith.constant 5 : i32
    %mul3A_35 = arith.muli %add3A, %mul3A_34 : i32
    %add3A_36 = arith.constant 1 : i32
    %add3A_37 = arith.addi %mul3A_35, %add3A_36 : i32
    %jit3A_38 = arith.constant 20 : i32
    %div3A_39 = arith.divsi %add3A_37, %jit3A_38 : i32
    %sign3A_40 = arith.constant 0 : i32
    %sign3A_41 = arith.cmpi sgt, %add3A_37, %sign3A_40 : i32
    %sign3A_42 = arith.extui %sign3A_41 : i1 to i32
    %sign3A_43 = arith.constant 0 : i32
    %sign3A_44 = arith.cmpi slt, %add3A_37, %sign3A_43 : i32
    %sign3A_45 = arith.extui %sign3A_44 : i1 to i32
    %sign3A_46 = arith.subi %sign3A_42, %sign3A_45 : i32
    %sign3A_47 = arith.constant 0 : i32
    %sign3A_48 = arith.cmpi sgt, %jit3A_38, %sign3A_47 : i32
    %sign3A_49 = arith.extui %sign3A_48 : i1 to i32
    %sign3A_50 = arith.constant 0 : i32
    %sign3A_51 = arith.cmpi slt, %jit3A_38, %sign3A_50 : i32
    %sign3A_52 = arith.extui %sign3A_51 : i1 to i32
    %sign3A_53 = arith.subi %sign3A_49, %sign3A_52 : i32
    %ne3A_54 = arith.cmpi ne, %sign3A_46, %sign3A_53 : i32
    %rem3A_55 = arith.remsi %add3A_37, %jit3A_38 : i32
    %ne3A_56 = arith.constant 0 : i32
    %ne3A_57 = arith.cmpi ne, %rem3A_55, %ne3A_56 : i32
    %and3A_58 = arith.andi %ne3A_54, %ne3A_57 : i1
    %sub3A_59 = arith.constant 1 : i32
    %sub3A_60 = arith.subi %div3A_39, %sub3A_59 : i32
    %select_n3A_61 = arith.select %and3A_58, %sub3A_60, %div3A_39 : i32
    %mul3A_62 = arith.constant 20 : i32
    %mul3A_63 = arith.muli %select_n3A_61, %mul3A_62 : i32
    %sub3A_64 = arith.subi %add3A_37, %mul3A_63 : i32
    %mul3A_65 = arith.constant 24 : i32
    %mul3A_66 = arith.muli %select_n3A_61, %mul3A_65 : i32
    %add3A_67 = arith.addi %mul3A_66, %sub3A_64 : i32
    %mul3A_68 = arith.constant 16 : i32
    %mul3A_69 = arith.muli %add3A_67, %mul3A_68 : i32
    "tpu.region"() ({
      %run_scoped3A = tpu.sem_alloc : memref<!tpu.dma_semaphore, #tpu.memory_space<semaphore_mem>>
      %dma_start3A = arith.constant 0 : i32
      %dma_start3A_202 = tpu.memref_slice %arg3[%mul3A_69, %dma_start3A] : memref<3072x128xi32, #tpu.memory_space<hbm>> -> memref<16x128xi32, #tpu.memory_space<hbm>>
      %dma_start3A_203 = arith.constant 0 : i32
      %dma_start3A_204 = tpu.memref_slice %arg3[%mul3A_69, %dma_start3A_203] : memref<3072x128xi32, #tpu.memory_space<hbm>> -> memref<16x128xi32, #tpu.memory_space<hbm>>
      tpu.enqueue_dma source(%dma_start3A_204 : memref<16x128xi32, #tpu.memory_space<hbm>>) target(%arg5 : memref<16x128xi32, #tpu.memory_space<vmem>>) target_semaphore(%run_scoped3A : memref<!tpu.dma_semaphore, #tpu.memory_space<semaphore_mem>>)
      %dma_wait3A = arith.constant 0 : i32
      %dma_wait3A_205 = tpu.memref_slice %arg3[%mul3A_69, %dma_wait3A] : memref<3072x128xi32, #tpu.memory_space<hbm>> -> memref<16x128xi32, #tpu.memory_space<hbm>>
      %dma_wait3A_206 = arith.constant 0 : i32
      %dma_wait3A_207 = tpu.memref_slice %arg3[%mul3A_69, %dma_wait3A_206] : memref<3072x128xi32, #tpu.memory_space<hbm>> -> memref<16x128xi32, #tpu.memory_space<hbm>>
      tpu.wait_dma2 semaphore(%run_scoped3A : memref<!tpu.dma_semaphore, #tpu.memory_space<semaphore_mem>>) src(%dma_wait3A_207 : memref<16x128xi32, #tpu.memory_space<hbm>>) dst(%arg5 : memref<16x128xi32, #tpu.memory_space<vmem>>)
      tpu.yield
    }) : () -> ()
    %scan3A_70 = arith.constant 0 : i32
    %scan3A_71 = arith.constant 0 : i32
    %scan3A_72 = arith.constant 16 : i32
    %scan3A_73 = arith.addi %scan3A_71, %scan3A_72 : i32
    %scan3A_74 = arith.constant 1 : i32
    scf.for %scan3A_202 = %scan3A_71 to %scan3A_73 step %scan3A_74  : i32 {
      %dma_start3A = arith.constant 0 : i32
      %dma_start3A_203 = tpu.memref_slice %arg5[%scan3A_202, %dma_start3A] : memref<16x128xi32, #tpu.memory_space<vmem>> -> memref<1x128xi32, #tpu.memory_space<vmem>>
      %dma_start3A_204 = tpu.memref_squeeze %dma_start3A_203 : memref<1x128xi32, #tpu.memory_space<vmem>> -> memref<128xi32, #tpu.memory_space<vmem>>
      %dma_start3A_205 = arith.constant 0 : i32
      %dma_start3A_206 = arith.constant 0 : i32
      %dma_start3A_207 = tpu.memref_slice %arg2[%dma_start3A_205, %dma_start3A_206] : memref<16384x64xf32, #tpu.memory_space<hbm>> -> memref<16384x64xf32, #tpu.memory_space<hbm>>
      tpu.enqueue_indirect_dma source(%dma_start3A_207 : memref<16384x64xf32, #tpu.memory_space<hbm>>) target(%arg6 : memref<128x64xf32, #tpu.memory_space<vmem>>) offsets(%dma_start3A_204 : memref<128xi32, #tpu.memory_space<vmem>>) semaphore(%arg7 : memref<!tpu.dma_semaphore, #tpu.memory_space<semaphore_mem>>)
      %dma_wait3A = arith.constant 0 : i32
      %dma_wait3A_208 = tpu.memref_slice %arg5[%scan3A_202, %dma_wait3A] : memref<16x128xi32, #tpu.memory_space<vmem>> -> memref<1x128xi32, #tpu.memory_space<vmem>>
      %dma_wait3A_209 = tpu.memref_squeeze %dma_wait3A_208 : memref<1x128xi32, #tpu.memory_space<vmem>> -> memref<128xi32, #tpu.memory_space<vmem>>
      %dma_wait3A_210 = arith.constant 0 : i32
      %dma_wait3A_211 = arith.constant 0 : i32
      %dma_wait3A_212 = tpu.memref_slice %arg2[%dma_wait3A_210, %dma_wait3A_211] : memref<16384x64xf32, #tpu.memory_space<hbm>> -> memref<16384x64xf32, #tpu.memory_space<hbm>>
      tpu.wait_indirect_dma semaphore(%arg7 : memref<!tpu.dma_semaphore, #tpu.memory_space<semaphore_mem>>) src(%dma_wait3A_212 : memref<16384x64xf32, #tpu.memory_space<hbm>>) dst(%arg6 : memref<128x64xf32, #tpu.memory_space<vmem>>)
      %mul3A_213 = arith.constant 128 : i32
      %mul3A_214 = arith.muli %scan3A_202, %mul3A_213 : i32
      "tpu.region"() ({
        %run_scoped3A = tpu.sem_alloc : memref<!tpu.dma_semaphore, #tpu.memory_space<semaphore_mem>>
        %dma_start3A_215 = arith.constant 0 : i32
        %dma_start3A_216 = tpu.memref_slice %arg4[%select_n3A_61, %sub3A_64, %mul3A_214, %dma_start3A_215] : memref<8x20x2048x64xf32, #tpu.memory_space<hbm>> -> memref<1x1x128x64xf32, #tpu.memory_space<hbm>>
        %dma_start3A_217 = tpu.memref_squeeze %dma_start3A_216 : memref<1x1x128x64xf32, #tpu.memory_space<hbm>> -> memref<128x64xf32, #tpu.memory_space<hbm>>
        %dma_start3A_218 = arith.constant 0 : i32
        %dma_start3A_219 = tpu.memref_slice %arg4[%select_n3A_61, %sub3A_64, %mul3A_214, %dma_start3A_218] : memref<8x20x2048x64xf32, #tpu.memory_space<hbm>> -> memref<1x1x128x64xf32, #tpu.memory_space<hbm>>
        %dma_start3A_220 = tpu.memref_squeeze %dma_start3A_219 : memref<1x1x128x64xf32, #tpu.memory_space<hbm>> -> memref<128x64xf32, #tpu.memory_space<hbm>>
        tpu.enqueue_dma source(%arg6 : memref<128x64xf32, #tpu.memory_space<vmem>>) target(%dma_start3A_220 : memref<128x64xf32, #tpu.memory_space<hbm>>) target_semaphore(%run_scoped3A : memref<!tpu.dma_semaphore, #tpu.memory_space<semaphore_mem>>)
        %dma_wait3A_221 = arith.constant 0 : i32
        %dma_wait3A_222 = tpu.memref_slice %arg4[%select_n3A_61, %sub3A_64, %mul3A_214, %dma_wait3A_221] : memref<8x20x2048x64xf32, #tpu.memory_space<hbm>> -> memref<1x1x128x64xf32, #tpu.memory_space<hbm>>
        %dma_wait3A_223 = tpu.memref_squeeze %dma_wait3A_222 : memref<1x1x128x64xf32, #tpu.memory_space<hbm>> -> memref<128x64xf32, #tpu.memory_space<hbm>>
        %dma_wait3A_224 = arith.constant 0 : i32
        %dma_wait3A_225 = tpu.memref_slice %arg4[%select_n3A_61, %sub3A_64, %mul3A_214, %dma_wait3A_224] : memref<8x20x2048x64xf32, #tpu.memory_space<hbm>> -> memref<1x1x128x64xf32, #tpu.memory_space<hbm>>
        %dma_wait3A_226 = tpu.memref_squeeze %dma_wait3A_225 : memref<1x1x128x64xf32, #tpu.memory_space<hbm>> -> memref<128x64xf32, #tpu.memory_space<hbm>>
        tpu.wait_dma2 semaphore(%run_scoped3A : memref<!tpu.dma_semaphore, #tpu.memory_space<semaphore_mem>>) src(%arg6 : memref<128x64xf32, #tpu.memory_space<vmem>>) dst(%dma_wait3A_226 : memref<128x64xf32, #tpu.memory_space<hbm>>)
        tpu.yield
      }) : () -> ()
    }
    %scan3A_75 = arith.constant 16 : i32
    %mul3A_76 = arith.constant 5 : i32
    %mul3A_77 = arith.muli %add3A, %mul3A_76 : i32
    %add3A_78 = arith.constant 2 : i32
    %add3A_79 = arith.addi %mul3A_77, %add3A_78 : i32
    %jit3A_80 = arith.constant 20 : i32
    %div3A_81 = arith.divsi %add3A_79, %jit3A_80 : i32
    %sign3A_82 = arith.constant 0 : i32
    %sign3A_83 = arith.cmpi sgt, %add3A_79, %sign3A_82 : i32
    %sign3A_84 = arith.extui %sign3A_83 : i1 to i32
    %sign3A_85 = arith.constant 0 : i32
    %sign3A_86 = arith.cmpi slt, %add3A_79, %sign3A_85 : i32
    %sign3A_87 = arith.extui %sign3A_86 : i1 to i32
    %sign3A_88 = arith.subi %sign3A_84, %sign3A_87 : i32
    %sign3A_89 = arith.constant 0 : i32
    %sign3A_90 = arith.cmpi sgt, %jit3A_80, %sign3A_89 : i32
    %sign3A_91 = arith.extui %sign3A_90 : i1 to i32
    %sign3A_92 = arith.constant 0 : i32
    %sign3A_93 = arith.cmpi slt, %jit3A_80, %sign3A_92 : i32
    %sign3A_94 = arith.extui %sign3A_93 : i1 to i32
    %sign3A_95 = arith.subi %sign3A_91, %sign3A_94 : i32
    %ne3A_96 = arith.cmpi ne, %sign3A_88, %sign3A_95 : i32
    %rem3A_97 = arith.remsi %add3A_79, %jit3A_80 : i32
    %ne3A_98 = arith.constant 0 : i32
    %ne3A_99 = arith.cmpi ne, %rem3A_97, %ne3A_98 : i32
    %and3A_100 = arith.andi %ne3A_96, %ne3A_99 : i1
    %sub3A_101 = arith.constant 1 : i32
    %sub3A_102 = arith.subi %div3A_81, %sub3A_101 : i32
    %select_n3A_103 = arith.select %and3A_100, %sub3A_102, %div3A_81 : i32
    %mul3A_104 = arith.constant 20 : i32
    %mul3A_105 = arith.muli %select_n3A_103, %mul3A_104 : i32
    %sub3A_106 = arith.subi %add3A_79, %mul3A_105 : i32
    %mul3A_107 = arith.constant 24 : i32
    %mul3A_108 = arith.muli %select_n3A_103, %mul3A_107 : i32
    %add3A_109 = arith.addi %mul3A_108, %sub3A_106 : i32
    %mul3A_110 = arith.constant 16 : i32
    %mul3A_111 = arith.muli %add3A_109, %mul3A_110 : i32
    "tpu.region"() ({
      %run_scoped3A = tpu.sem_alloc : memref<!tpu.dma_semaphore, #tpu.memory_space<semaphore_mem>>
      %dma_start3A = arith.constant 0 : i32
      %dma_start3A_202 = tpu.memref_slice %arg3[%mul3A_111, %dma_start3A] : memref<3072x128xi32, #tpu.memory_space<hbm>> -> memref<16x128xi32, #tpu.memory_space<hbm>>
      %dma_start3A_203 = arith.constant 0 : i32
      %dma_start3A_204 = tpu.memref_slice %arg3[%mul3A_111, %dma_start3A_203] : memref<3072x128xi32, #tpu.memory_space<hbm>> -> memref<16x128xi32, #tpu.memory_space<hbm>>
      tpu.enqueue_dma source(%dma_start3A_204 : memref<16x128xi32, #tpu.memory_space<hbm>>) target(%arg5 : memref<16x128xi32, #tpu.memory_space<vmem>>) target_semaphore(%run_scoped3A : memref<!tpu.dma_semaphore, #tpu.memory_space<semaphore_mem>>)
      %dma_wait3A = arith.constant 0 : i32
      %dma_wait3A_205 = tpu.memref_slice %arg3[%mul3A_111, %dma_wait3A] : memref<3072x128xi32, #tpu.memory_space<hbm>> -> memref<16x128xi32, #tpu.memory_space<hbm>>
      %dma_wait3A_206 = arith.constant 0 : i32
      %dma_wait3A_207 = tpu.memref_slice %arg3[%mul3A_111, %dma_wait3A_206] : memref<3072x128xi32, #tpu.memory_space<hbm>> -> memref<16x128xi32, #tpu.memory_space<hbm>>
      tpu.wait_dma2 semaphore(%run_scoped3A : memref<!tpu.dma_semaphore, #tpu.memory_space<semaphore_mem>>) src(%dma_wait3A_207 : memref<16x128xi32, #tpu.memory_space<hbm>>) dst(%arg5 : memref<16x128xi32, #tpu.memory_space<vmem>>)
      tpu.yield
    }) : () -> ()
    %scan3A_112 = arith.constant 0 : i32
    %scan3A_113 = arith.constant 0 : i32
    %scan3A_114 = arith.constant 16 : i32
    %scan3A_115 = arith.addi %scan3A_113, %scan3A_114 : i32
    %scan3A_116 = arith.constant 1 : i32
    scf.for %scan3A_202 = %scan3A_113 to %scan3A_115 step %scan3A_116  : i32 {
      %dma_start3A = arith.constant 0 : i32
      %dma_start3A_203 = tpu.memref_slice %arg5[%scan3A_202, %dma_start3A] : memref<16x128xi32, #tpu.memory_space<vmem>> -> memref<1x128xi32, #tpu.memory_space<vmem>>
      %dma_start3A_204 = tpu.memref_squeeze %dma_start3A_203 : memref<1x128xi32, #tpu.memory_space<vmem>> -> memref<128xi32, #tpu.memory_space<vmem>>
      %dma_start3A_205 = arith.constant 0 : i32
      %dma_start3A_206 = arith.constant 0 : i32
      %dma_start3A_207 = tpu.memref_slice %arg2[%dma_start3A_205, %dma_start3A_206] : memref<16384x64xf32, #tpu.memory_space<hbm>> -> memref<16384x64xf32, #tpu.memory_space<hbm>>
      tpu.enqueue_indirect_dma source(%dma_start3A_207 : memref<16384x64xf32, #tpu.memory_space<hbm>>) target(%arg6 : memref<128x64xf32, #tpu.memory_space<vmem>>) offsets(%dma_start3A_204 : memref<128xi32, #tpu.memory_space<vmem>>) semaphore(%arg7 : memref<!tpu.dma_semaphore, #tpu.memory_space<semaphore_mem>>)
      %dma_wait3A = arith.constant 0 : i32
      %dma_wait3A_208 = tpu.memref_slice %arg5[%scan3A_202, %dma_wait3A] : memref<16x128xi32, #tpu.memory_space<vmem>> -> memref<1x128xi32, #tpu.memory_space<vmem>>
      %dma_wait3A_209 = tpu.memref_squeeze %dma_wait3A_208 : memref<1x128xi32, #tpu.memory_space<vmem>> -> memref<128xi32, #tpu.memory_space<vmem>>
      %dma_wait3A_210 = arith.constant 0 : i32
      %dma_wait3A_211 = arith.constant 0 : i32
      %dma_wait3A_212 = tpu.memref_slice %arg2[%dma_wait3A_210, %dma_wait3A_211] : memref<16384x64xf32, #tpu.memory_space<hbm>> -> memref<16384x64xf32, #tpu.memory_space<hbm>>
      tpu.wait_indirect_dma semaphore(%arg7 : memref<!tpu.dma_semaphore, #tpu.memory_space<semaphore_mem>>) src(%dma_wait3A_212 : memref<16384x64xf32, #tpu.memory_space<hbm>>) dst(%arg6 : memref<128x64xf32, #tpu.memory_space<vmem>>)
      %mul3A_213 = arith.constant 128 : i32
      %mul3A_214 = arith.muli %scan3A_202, %mul3A_213 : i32
      "tpu.region"() ({
        %run_scoped3A = tpu.sem_alloc : memref<!tpu.dma_semaphore, #tpu.memory_space<semaphore_mem>>
        %dma_start3A_215 = arith.constant 0 : i32
        %dma_start3A_216 = tpu.memref_slice %arg4[%select_n3A_103, %sub3A_106, %mul3A_214, %dma_start3A_215] : memref<8x20x2048x64xf32, #tpu.memory_space<hbm>> -> memref<1x1x128x64xf32, #tpu.memory_space<hbm>>
        %dma_start3A_217 = tpu.memref_squeeze %dma_start3A_216 : memref<1x1x128x64xf32, #tpu.memory_space<hbm>> -> memref<128x64xf32, #tpu.memory_space<hbm>>
        %dma_start3A_218 = arith.constant 0 : i32
        %dma_start3A_219 = tpu.memref_slice %arg4[%select_n3A_103, %sub3A_106, %mul3A_214, %dma_start3A_218] : memref<8x20x2048x64xf32, #tpu.memory_space<hbm>> -> memref<1x1x128x64xf32, #tpu.memory_space<hbm>>
        %dma_start3A_220 = tpu.memref_squeeze %dma_start3A_219 : memref<1x1x128x64xf32, #tpu.memory_space<hbm>> -> memref<128x64xf32, #tpu.memory_space<hbm>>
        tpu.enqueue_dma source(%arg6 : memref<128x64xf32, #tpu.memory_space<vmem>>) target(%dma_start3A_220 : memref<128x64xf32, #tpu.memory_space<hbm>>) target_semaphore(%run_scoped3A : memref<!tpu.dma_semaphore, #tpu.memory_space<semaphore_mem>>)
        %dma_wait3A_221 = arith.constant 0 : i32
        %dma_wait3A_222 = tpu.memref_slice %arg4[%select_n3A_103, %sub3A_106, %mul3A_214, %dma_wait3A_221] : memref<8x20x2048x64xf32, #tpu.memory_space<hbm>> -> memref<1x1x128x64xf32, #tpu.memory_space<hbm>>
        %dma_wait3A_223 = tpu.memref_squeeze %dma_wait3A_222 : memref<1x1x128x64xf32, #tpu.memory_space<hbm>> -> memref<128x64xf32, #tpu.memory_space<hbm>>
        %dma_wait3A_224 = arith.constant 0 : i32
        %dma_wait3A_225 = tpu.memref_slice %arg4[%select_n3A_103, %sub3A_106, %mul3A_214, %dma_wait3A_224] : memref<8x20x2048x64xf32, #tpu.memory_space<hbm>> -> memref<1x1x128x64xf32, #tpu.memory_space<hbm>>
        %dma_wait3A_226 = tpu.memref_squeeze %dma_wait3A_225 : memref<1x1x128x64xf32, #tpu.memory_space<hbm>> -> memref<128x64xf32, #tpu.memory_space<hbm>>
        tpu.wait_dma2 semaphore(%run_scoped3A : memref<!tpu.dma_semaphore, #tpu.memory_space<semaphore_mem>>) src(%arg6 : memref<128x64xf32, #tpu.memory_space<vmem>>) dst(%dma_wait3A_226 : memref<128x64xf32, #tpu.memory_space<hbm>>)
        tpu.yield
      }) : () -> ()
    }
    %scan3A_117 = arith.constant 16 : i32
    %mul3A_118 = arith.constant 5 : i32
    %mul3A_119 = arith.muli %add3A, %mul3A_118 : i32
    %add3A_120 = arith.constant 3 : i32
    %add3A_121 = arith.addi %mul3A_119, %add3A_120 : i32
    %jit3A_122 = arith.constant 20 : i32
    %div3A_123 = arith.divsi %add3A_121, %jit3A_122 : i32
    %sign3A_124 = arith.constant 0 : i32
    %sign3A_125 = arith.cmpi sgt, %add3A_121, %sign3A_124 : i32
    %sign3A_126 = arith.extui %sign3A_125 : i1 to i32
    %sign3A_127 = arith.constant 0 : i32
    %sign3A_128 = arith.cmpi slt, %add3A_121, %sign3A_127 : i32
    %sign3A_129 = arith.extui %sign3A_128 : i1 to i32
    %sign3A_130 = arith.subi %sign3A_126, %sign3A_129 : i32
    %sign3A_131 = arith.constant 0 : i32
    %sign3A_132 = arith.cmpi sgt, %jit3A_122, %sign3A_131 : i32
    %sign3A_133 = arith.extui %sign3A_132 : i1 to i32
    %sign3A_134 = arith.constant 0 : i32
    %sign3A_135 = arith.cmpi slt, %jit3A_122, %sign3A_134 : i32
    %sign3A_136 = arith.extui %sign3A_135 : i1 to i32
    %sign3A_137 = arith.subi %sign3A_133, %sign3A_136 : i32
    %ne3A_138 = arith.cmpi ne, %sign3A_130, %sign3A_137 : i32
    %rem3A_139 = arith.remsi %add3A_121, %jit3A_122 : i32
    %ne3A_140 = arith.constant 0 : i32
    %ne3A_141 = arith.cmpi ne, %rem3A_139, %ne3A_140 : i32
    %and3A_142 = arith.andi %ne3A_138, %ne3A_141 : i1
    %sub3A_143 = arith.constant 1 : i32
    %sub3A_144 = arith.subi %div3A_123, %sub3A_143 : i32
    %select_n3A_145 = arith.select %and3A_142, %sub3A_144, %div3A_123 : i32
    %mul3A_146 = arith.constant 20 : i32
    %mul3A_147 = arith.muli %select_n3A_145, %mul3A_146 : i32
    %sub3A_148 = arith.subi %add3A_121, %mul3A_147 : i32
    %mul3A_149 = arith.constant 24 : i32
    %mul3A_150 = arith.muli %select_n3A_145, %mul3A_149 : i32
    %add3A_151 = arith.addi %mul3A_150, %sub3A_148 : i32
    %mul3A_152 = arith.constant 16 : i32
    %mul3A_153 = arith.muli %add3A_151, %mul3A_152 : i32
    "tpu.region"() ({
      %run_scoped3A = tpu.sem_alloc : memref<!tpu.dma_semaphore, #tpu.memory_space<semaphore_mem>>
      %dma_start3A = arith.constant 0 : i32
      %dma_start3A_202 = tpu.memref_slice %arg3[%mul3A_153, %dma_start3A] : memref<3072x128xi32, #tpu.memory_space<hbm>> -> memref<16x128xi32, #tpu.memory_space<hbm>>
      %dma_start3A_203 = arith.constant 0 : i32
      %dma_start3A_204 = tpu.memref_slice %arg3[%mul3A_153, %dma_start3A_203] : memref<3072x128xi32, #tpu.memory_space<hbm>> -> memref<16x128xi32, #tpu.memory_space<hbm>>
      tpu.enqueue_dma source(%dma_start3A_204 : memref<16x128xi32, #tpu.memory_space<hbm>>) target(%arg5 : memref<16x128xi32, #tpu.memory_space<vmem>>) target_semaphore(%run_scoped3A : memref<!tpu.dma_semaphore, #tpu.memory_space<semaphore_mem>>)
      %dma_wait3A = arith.constant 0 : i32
      %dma_wait3A_205 = tpu.memref_slice %arg3[%mul3A_153, %dma_wait3A] : memref<3072x128xi32, #tpu.memory_space<hbm>> -> memref<16x128xi32, #tpu.memory_space<hbm>>
      %dma_wait3A_206 = arith.constant 0 : i32
      %dma_wait3A_207 = tpu.memref_slice %arg3[%mul3A_153, %dma_wait3A_206] : memref<3072x128xi32, #tpu.memory_space<hbm>> -> memref<16x128xi32, #tpu.memory_space<hbm>>
      tpu.wait_dma2 semaphore(%run_scoped3A : memref<!tpu.dma_semaphore, #tpu.memory_space<semaphore_mem>>) src(%dma_wait3A_207 : memref<16x128xi32, #tpu.memory_space<hbm>>) dst(%arg5 : memref<16x128xi32, #tpu.memory_space<vmem>>)
      tpu.yield
    }) : () -> ()
    %scan3A_154 = arith.constant 0 : i32
    %scan3A_155 = arith.constant 0 : i32
    %scan3A_156 = arith.constant 16 : i32
    %scan3A_157 = arith.addi %scan3A_155, %scan3A_156 : i32
    %scan3A_158 = arith.constant 1 : i32
    scf.for %scan3A_202 = %scan3A_155 to %scan3A_157 step %scan3A_158  : i32 {
      %dma_start3A = arith.constant 0 : i32
      %dma_start3A_203 = tpu.memref_slice %arg5[%scan3A_202, %dma_start3A] : memref<16x128xi32, #tpu.memory_space<vmem>> -> memref<1x128xi32, #tpu.memory_space<vmem>>
      %dma_start3A_204 = tpu.memref_squeeze %dma_start3A_203 : memref<1x128xi32, #tpu.memory_space<vmem>> -> memref<128xi32, #tpu.memory_space<vmem>>
      %dma_start3A_205 = arith.constant 0 : i32
      %dma_start3A_206 = arith.constant 0 : i32
      %dma_start3A_207 = tpu.memref_slice %arg2[%dma_start3A_205, %dma_start3A_206] : memref<16384x64xf32, #tpu.memory_space<hbm>> -> memref<16384x64xf32, #tpu.memory_space<hbm>>
      tpu.enqueue_indirect_dma source(%dma_start3A_207 : memref<16384x64xf32, #tpu.memory_space<hbm>>) target(%arg6 : memref<128x64xf32, #tpu.memory_space<vmem>>) offsets(%dma_start3A_204 : memref<128xi32, #tpu.memory_space<vmem>>) semaphore(%arg7 : memref<!tpu.dma_semaphore, #tpu.memory_space<semaphore_mem>>)
      %dma_wait3A = arith.constant 0 : i32
      %dma_wait3A_208 = tpu.memref_slice %arg5[%scan3A_202, %dma_wait3A] : memref<16x128xi32, #tpu.memory_space<vmem>> -> memref<1x128xi32, #tpu.memory_space<vmem>>
      %dma_wait3A_209 = tpu.memref_squeeze %dma_wait3A_208 : memref<1x128xi32, #tpu.memory_space<vmem>> -> memref<128xi32, #tpu.memory_space<vmem>>
      %dma_wait3A_210 = arith.constant 0 : i32
      %dma_wait3A_211 = arith.constant 0 : i32
      %dma_wait3A_212 = tpu.memref_slice %arg2[%dma_wait3A_210, %dma_wait3A_211] : memref<16384x64xf32, #tpu.memory_space<hbm>> -> memref<16384x64xf32, #tpu.memory_space<hbm>>
      tpu.wait_indirect_dma semaphore(%arg7 : memref<!tpu.dma_semaphore, #tpu.memory_space<semaphore_mem>>) src(%dma_wait3A_212 : memref<16384x64xf32, #tpu.memory_space<hbm>>) dst(%arg6 : memref<128x64xf32, #tpu.memory_space<vmem>>)
      %mul3A_213 = arith.constant 128 : i32
      %mul3A_214 = arith.muli %scan3A_202, %mul3A_213 : i32
      "tpu.region"() ({
        %run_scoped3A = tpu.sem_alloc : memref<!tpu.dma_semaphore, #tpu.memory_space<semaphore_mem>>
        %dma_start3A_215 = arith.constant 0 : i32
        %dma_start3A_216 = tpu.memref_slice %arg4[%select_n3A_145, %sub3A_148, %mul3A_214, %dma_start3A_215] : memref<8x20x2048x64xf32, #tpu.memory_space<hbm>> -> memref<1x1x128x64xf32, #tpu.memory_space<hbm>>
        %dma_start3A_217 = tpu.memref_squeeze %dma_start3A_216 : memref<1x1x128x64xf32, #tpu.memory_space<hbm>> -> memref<128x64xf32, #tpu.memory_space<hbm>>
        %dma_start3A_218 = arith.constant 0 : i32
        %dma_start3A_219 = tpu.memref_slice %arg4[%select_n3A_145, %sub3A_148, %mul3A_214, %dma_start3A_218] : memref<8x20x2048x64xf32, #tpu.memory_space<hbm>> -> memref<1x1x128x64xf32, #tpu.memory_space<hbm>>
        %dma_start3A_220 = tpu.memref_squeeze %dma_start3A_219 : memref<1x1x128x64xf32, #tpu.memory_space<hbm>> -> memref<128x64xf32, #tpu.memory_space<hbm>>
        tpu.enqueue_dma source(%arg6 : memref<128x64xf32, #tpu.memory_space<vmem>>) target(%dma_start3A_220 : memref<128x64xf32, #tpu.memory_space<hbm>>) target_semaphore(%run_scoped3A : memref<!tpu.dma_semaphore, #tpu.memory_space<semaphore_mem>>)
        %dma_wait3A_221 = arith.constant 0 : i32
        %dma_wait3A_222 = tpu.memref_slice %arg4[%select_n3A_145, %sub3A_148, %mul3A_214, %dma_wait3A_221] : memref<8x20x2048x64xf32, #tpu.memory_space<hbm>> -> memref<1x1x128x64xf32, #tpu.memory_space<hbm>>
        %dma_wait3A_223 = tpu.memref_squeeze %dma_wait3A_222 : memref<1x1x128x64xf32, #tpu.memory_space<hbm>> -> memref<128x64xf32, #tpu.memory_space<hbm>>
        %dma_wait3A_224 = arith.constant 0 : i32
        %dma_wait3A_225 = tpu.memref_slice %arg4[%select_n3A_145, %sub3A_148, %mul3A_214, %dma_wait3A_224] : memref<8x20x2048x64xf32, #tpu.memory_space<hbm>> -> memref<1x1x128x64xf32, #tpu.memory_space<hbm>>
        %dma_wait3A_226 = tpu.memref_squeeze %dma_wait3A_225 : memref<1x1x128x64xf32, #tpu.memory_space<hbm>> -> memref<128x64xf32, #tpu.memory_space<hbm>>
        tpu.wait_dma2 semaphore(%run_scoped3A : memref<!tpu.dma_semaphore, #tpu.memory_space<semaphore_mem>>) src(%arg6 : memref<128x64xf32, #tpu.memory_space<vmem>>) dst(%dma_wait3A_226 : memref<128x64xf32, #tpu.memory_space<hbm>>)
        tpu.yield
      }) : () -> ()
    }
    %scan3A_159 = arith.constant 16 : i32
    %mul3A_160 = arith.constant 5 : i32
    %mul3A_161 = arith.muli %add3A, %mul3A_160 : i32
    %add3A_162 = arith.constant 4 : i32
    %add3A_163 = arith.addi %mul3A_161, %add3A_162 : i32
    %jit3A_164 = arith.constant 20 : i32
    %div3A_165 = arith.divsi %add3A_163, %jit3A_164 : i32
    %sign3A_166 = arith.constant 0 : i32
    %sign3A_167 = arith.cmpi sgt, %add3A_163, %sign3A_166 : i32
    %sign3A_168 = arith.extui %sign3A_167 : i1 to i32
    %sign3A_169 = arith.constant 0 : i32
    %sign3A_170 = arith.cmpi slt, %add3A_163, %sign3A_169 : i32
    %sign3A_171 = arith.extui %sign3A_170 : i1 to i32
    %sign3A_172 = arith.subi %sign3A_168, %sign3A_171 : i32
    %sign3A_173 = arith.constant 0 : i32
    %sign3A_174 = arith.cmpi sgt, %jit3A_164, %sign3A_173 : i32
    %sign3A_175 = arith.extui %sign3A_174 : i1 to i32
    %sign3A_176 = arith.constant 0 : i32
    %sign3A_177 = arith.cmpi slt, %jit3A_164, %sign3A_176 : i32
    %sign3A_178 = arith.extui %sign3A_177 : i1 to i32
    %sign3A_179 = arith.subi %sign3A_175, %sign3A_178 : i32
    %ne3A_180 = arith.cmpi ne, %sign3A_172, %sign3A_179 : i32
    %rem3A_181 = arith.remsi %add3A_163, %jit3A_164 : i32
    %ne3A_182 = arith.constant 0 : i32
    %ne3A_183 = arith.cmpi ne, %rem3A_181, %ne3A_182 : i32
    %and3A_184 = arith.andi %ne3A_180, %ne3A_183 : i1
    %sub3A_185 = arith.constant 1 : i32
    %sub3A_186 = arith.subi %div3A_165, %sub3A_185 : i32
    %select_n3A_187 = arith.select %and3A_184, %sub3A_186, %div3A_165 : i32
    %mul3A_188 = arith.constant 20 : i32
    %mul3A_189 = arith.muli %select_n3A_187, %mul3A_188 : i32
    %sub3A_190 = arith.subi %add3A_163, %mul3A_189 : i32
    %mul3A_191 = arith.constant 24 : i32
    %mul3A_192 = arith.muli %select_n3A_187, %mul3A_191 : i32
    %add3A_193 = arith.addi %mul3A_192, %sub3A_190 : i32
    %mul3A_194 = arith.constant 16 : i32
    %mul3A_195 = arith.muli %add3A_193, %mul3A_194 : i32
    "tpu.region"() ({
      %run_scoped3A = tpu.sem_alloc : memref<!tpu.dma_semaphore, #tpu.memory_space<semaphore_mem>>
      %dma_start3A = arith.constant 0 : i32
      %dma_start3A_202 = tpu.memref_slice %arg3[%mul3A_195, %dma_start3A] : memref<3072x128xi32, #tpu.memory_space<hbm>> -> memref<16x128xi32, #tpu.memory_space<hbm>>
      %dma_start3A_203 = arith.constant 0 : i32
      %dma_start3A_204 = tpu.memref_slice %arg3[%mul3A_195, %dma_start3A_203] : memref<3072x128xi32, #tpu.memory_space<hbm>> -> memref<16x128xi32, #tpu.memory_space<hbm>>
      tpu.enqueue_dma source(%dma_start3A_204 : memref<16x128xi32, #tpu.memory_space<hbm>>) target(%arg5 : memref<16x128xi32, #tpu.memory_space<vmem>>) target_semaphore(%run_scoped3A : memref<!tpu.dma_semaphore, #tpu.memory_space<semaphore_mem>>)
      %dma_wait3A = arith.constant 0 : i32
      %dma_wait3A_205 = tpu.memref_slice %arg3[%mul3A_195, %dma_wait3A] : memref<3072x128xi32, #tpu.memory_space<hbm>> -> memref<16x128xi32, #tpu.memory_space<hbm>>
      %dma_wait3A_206 = arith.constant 0 : i32
      %dma_wait3A_207 = tpu.memref_slice %arg3[%mul3A_195, %dma_wait3A_206] : memref<3072x128xi32, #tpu.memory_space<hbm>> -> memref<16x128xi32, #tpu.memory_space<hbm>>
      tpu.wait_dma2 semaphore(%run_scoped3A : memref<!tpu.dma_semaphore, #tpu.memory_space<semaphore_mem>>) src(%dma_wait3A_207 : memref<16x128xi32, #tpu.memory_space<hbm>>) dst(%arg5 : memref<16x128xi32, #tpu.memory_space<vmem>>)
      tpu.yield
    }) : () -> ()
    %scan3A_196 = arith.constant 0 : i32
    %scan3A_197 = arith.constant 0 : i32
    %scan3A_198 = arith.constant 16 : i32
    %scan3A_199 = arith.addi %scan3A_197, %scan3A_198 : i32
    %scan3A_200 = arith.constant 1 : i32
    scf.for %scan3A_202 = %scan3A_197 to %scan3A_199 step %scan3A_200  : i32 {
      %dma_start3A = arith.constant 0 : i32
      %dma_start3A_203 = tpu.memref_slice %arg5[%scan3A_202, %dma_start3A] : memref<16x128xi32, #tpu.memory_space<vmem>> -> memref<1x128xi32, #tpu.memory_space<vmem>>
      %dma_start3A_204 = tpu.memref_squeeze %dma_start3A_203 : memref<1x128xi32, #tpu.memory_space<vmem>> -> memref<128xi32, #tpu.memory_space<vmem>>
      %dma_start3A_205 = arith.constant 0 : i32
      %dma_start3A_206 = arith.constant 0 : i32
      %dma_start3A_207 = tpu.memref_slice %arg2[%dma_start3A_205, %dma_start3A_206] : memref<16384x64xf32, #tpu.memory_space<hbm>> -> memref<16384x64xf32, #tpu.memory_space<hbm>>
      tpu.enqueue_indirect_dma source(%dma_start3A_207 : memref<16384x64xf32, #tpu.memory_space<hbm>>) target(%arg6 : memref<128x64xf32, #tpu.memory_space<vmem>>) offsets(%dma_start3A_204 : memref<128xi32, #tpu.memory_space<vmem>>) semaphore(%arg7 : memref<!tpu.dma_semaphore, #tpu.memory_space<semaphore_mem>>)
      %dma_wait3A = arith.constant 0 : i32
      %dma_wait3A_208 = tpu.memref_slice %arg5[%scan3A_202, %dma_wait3A] : memref<16x128xi32, #tpu.memory_space<vmem>> -> memref<1x128xi32, #tpu.memory_space<vmem>>
      %dma_wait3A_209 = tpu.memref_squeeze %dma_wait3A_208 : memref<1x128xi32, #tpu.memory_space<vmem>> -> memref<128xi32, #tpu.memory_space<vmem>>
      %dma_wait3A_210 = arith.constant 0 : i32
      %dma_wait3A_211 = arith.constant 0 : i32
      %dma_wait3A_212 = tpu.memref_slice %arg2[%dma_wait3A_210, %dma_wait3A_211] : memref<16384x64xf32, #tpu.memory_space<hbm>> -> memref<16384x64xf32, #tpu.memory_space<hbm>>
      tpu.wait_indirect_dma semaphore(%arg7 : memref<!tpu.dma_semaphore, #tpu.memory_space<semaphore_mem>>) src(%dma_wait3A_212 : memref<16384x64xf32, #tpu.memory_space<hbm>>) dst(%arg6 : memref<128x64xf32, #tpu.memory_space<vmem>>)
      %mul3A_213 = arith.constant 128 : i32
      %mul3A_214 = arith.muli %scan3A_202, %mul3A_213 : i32
      "tpu.region"() ({
        %run_scoped3A = tpu.sem_alloc : memref<!tpu.dma_semaphore, #tpu.memory_space<semaphore_mem>>
        %dma_start3A_215 = arith.constant 0 : i32
        %dma_start3A_216 = tpu.memref_slice %arg4[%select_n3A_187, %sub3A_190, %mul3A_214, %dma_start3A_215] : memref<8x20x2048x64xf32, #tpu.memory_space<hbm>> -> memref<1x1x128x64xf32, #tpu.memory_space<hbm>>
        %dma_start3A_217 = tpu.memref_squeeze %dma_start3A_216 : memref<1x1x128x64xf32, #tpu.memory_space<hbm>> -> memref<128x64xf32, #tpu.memory_space<hbm>>
        %dma_start3A_218 = arith.constant 0 : i32
        %dma_start3A_219 = tpu.memref_slice %arg4[%select_n3A_187, %sub3A_190, %mul3A_214, %dma_start3A_218] : memref<8x20x2048x64xf32, #tpu.memory_space<hbm>> -> memref<1x1x128x64xf32, #tpu.memory_space<hbm>>
        %dma_start3A_220 = tpu.memref_squeeze %dma_start3A_219 : memref<1x1x128x64xf32, #tpu.memory_space<hbm>> -> memref<128x64xf32, #tpu.memory_space<hbm>>
        tpu.enqueue_dma source(%arg6 : memref<128x64xf32, #tpu.memory_space<vmem>>) target(%dma_start3A_220 : memref<128x64xf32, #tpu.memory_space<hbm>>) target_semaphore(%run_scoped3A : memref<!tpu.dma_semaphore, #tpu.memory_space<semaphore_mem>>)
        %dma_wait3A_221 = arith.constant 0 : i32
        %dma_wait3A_222 = tpu.memref_slice %arg4[%select_n3A_187, %sub3A_190, %mul3A_214, %dma_wait3A_221] : memref<8x20x2048x64xf32, #tpu.memory_space<hbm>> -> memref<1x1x128x64xf32, #tpu.memory_space<hbm>>
        %dma_wait3A_223 = tpu.memref_squeeze %dma_wait3A_222 : memref<1x1x128x64xf32, #tpu.memory_space<hbm>> -> memref<128x64xf32, #tpu.memory_space<hbm>>
        %dma_wait3A_224 = arith.constant 0 : i32
        %dma_wait3A_225 = tpu.memref_slice %arg4[%select_n3A_187, %sub3A_190, %mul3A_214, %dma_wait3A_224] : memref<8x20x2048x64xf32, #tpu.memory_space<hbm>> -> memref<1x1x128x64xf32, #tpu.memory_space<hbm>>
        %dma_wait3A_226 = tpu.memref_squeeze %dma_wait3A_225 : memref<1x1x128x64xf32, #tpu.memory_space<hbm>> -> memref<128x64xf32, #tpu.memory_space<hbm>>
        tpu.wait_dma2 semaphore(%run_scoped3A : memref<!tpu.dma_semaphore, #tpu.memory_space<semaphore_mem>>) src(%arg6 : memref<128x64xf32, #tpu.memory_space<vmem>>) dst(%dma_wait3A_226 : memref<128x64xf32, #tpu.memory_space<hbm>>)
        tpu.yield
      }) : () -> ()
    }
    %scan3A_201 = arith.constant 16 : i32
    return
  }
}

module attributes {stable_mosaic.version = 14 : i64} {
  func.func @_topk_body(%arg0: i32, %arg1: i32, %arg2: memref<1x2048x8xf32, #tpu.memory_space<vmem>>, %arg3: memref<1x8x512xf32, #tpu.memory_space<vmem>>, %arg4: memref<1x24x512xi32, #tpu.memory_space<vmem>>) attributes {dimension_semantics = [#tpu.dimension_semantics<parallel>, #tpu.dimension_semantics<parallel>], iteration_bounds = array<i64: 8, 4>, scalar_prefetch = 0 : i64, scratch_operands = 0 : i64, tpu.core_type = #tpu.core_type<tc>, window_params = [{transform_indices = @transform_0, window_bounds = array<i64: 1, 2048, 8>}, {transform_indices = @transform_1, window_bounds = array<i64: 1, 8, 512>}, {transform_indices = @transform_2, window_bounds = array<i64: 1, 24, 512>}]} {
    %get3A = arith.constant 0 : index
    %get3A_0 = arith.constant 0 : index
    %get3A_1 = arith.constant 0 : index
    %get3A_2 = vector.load %arg2[%get3A, %get3A_0, %get3A_1] : memref<1x2048x8xf32, #tpu.memory_space<vmem>>, vector<1x2048x8xf32>
    %get3A_3 = vector.shape_cast %get3A_2 : vector<1x2048x8xf32> to vector<2048x8xf32>
    %get3A_4 = arith.constant 0 : index
    %get3A_5 = arith.constant 0 : index
    %get3A_6 = arith.constant 0 : index
    %get3A_7 = vector.load %arg3[%get3A_4, %get3A_5, %get3A_6] : memref<1x8x512xf32, #tpu.memory_space<vmem>>, vector<1x8x512xf32>
    %get3A_8 = vector.shape_cast %get3A_7 : vector<1x8x512xf32> to vector<8x512xf32>
    %iota3A = tpu.iota {dimensions = array<i32: 0>} : vector<2048x512xi32>
    %convert_element_type3A = arith.sitofp %iota3A : vector<2048x512xi32> to vector<2048x512xf32>
    %iota3A_9 = tpu.iota {dimensions = array<i32: 1>} : vector<2048x512xi32>
    %mul3A = arith.constant 512 : i32
    %mul3A_10 = arith.muli %arg1, %mul3A : i32
    %add3A = vector.broadcast %mul3A_10 : i32 to vector<2048x512xi32>
    %add3A_11 = arith.addi %iota3A_9, %add3A : vector<2048x512xi32>
    %convert_element_type3A_12 = arith.sitofp %add3A_11 : vector<2048x512xi32> to vector<2048x512xf32>
    %slice3A = vector.extract_strided_slice %get3A_3 {offsets = [0, 0], sizes = [2048, 1], strides = [1, 1]} : vector<2048x8xf32> to vector<2048x1xf32>
    %slice3A_13 = vector.extract_strided_slice %get3A_8 {offsets = [0, 0], sizes = [1, 512], strides = [1, 1]} : vector<8x512xf32> to vector<1x512xf32>
    %sub3A = vector.broadcast %slice3A : vector<2048x1xf32> to vector<2048x512xf32>
    %sub3A_14 = vector.broadcast %slice3A_13 : vector<1x512xf32> to vector<2048x512xf32>
    %sub3A_15 = arith.subf %sub3A, %sub3A_14 : vector<2048x512xf32>
    %integer_pow3A = arith.mulf %sub3A_15, %sub3A_15 : vector<2048x512xf32>
    %slice3A_16 = vector.extract_strided_slice %get3A_3 {offsets = [0, 1], sizes = [2048, 1], strides = [1, 1]} : vector<2048x8xf32> to vector<2048x1xf32>
    %slice3A_17 = vector.extract_strided_slice %get3A_8 {offsets = [1, 0], sizes = [1, 512], strides = [1, 1]} : vector<8x512xf32> to vector<1x512xf32>
    %sub3A_18 = vector.broadcast %slice3A_16 : vector<2048x1xf32> to vector<2048x512xf32>
    %sub3A_19 = vector.broadcast %slice3A_17 : vector<1x512xf32> to vector<2048x512xf32>
    %sub3A_20 = arith.subf %sub3A_18, %sub3A_19 : vector<2048x512xf32>
    %integer_pow3A_21 = arith.mulf %sub3A_20, %sub3A_20 : vector<2048x512xf32>
    %add3A_22 = arith.addf %integer_pow3A, %integer_pow3A_21 : vector<2048x512xf32>
    %eq3A = arith.cmpf oeq, %convert_element_type3A, %convert_element_type3A_12 : vector<2048x512xf32>
    %jit3A = arith.constant 0x7F800000 : f32
    %broadcast_in_dim3A = vector.broadcast %jit3A : f32 to vector<2048x512xf32>
    %select_n3A = arith.select %eq3A, %broadcast_in_dim3A, %add3A_22 : vector<2048x512xi1>, vector<2048x512xf32>
    %mul3A_23 = arith.constant 2048 : i32
    %mul3A_24 = arith.muli %arg0, %mul3A_23 : i32
    %reduce_min3A = arith.constant dense<0x7F800000> : vector<512xf32>
    %reduce_min3A_25 = vector.multi_reduction <minimumf>, %select_n3A, %reduce_min3A [0] : vector<2048x512xf32> to vector<512xf32>
    %broadcast_in_dim3A_26 = vector.shape_cast %reduce_min3A_25 : vector<512xf32> to vector<1x512xf32>
    %eq3A_27 = vector.broadcast %broadcast_in_dim3A_26 : vector<1x512xf32> to vector<2048x512xf32>
    %eq3A_28 = arith.cmpf oeq, %select_n3A, %eq3A_27 : vector<2048x512xf32>
    %jit3A_29 = arith.constant 4.096000e+03 : f32
    %broadcast_in_dim3A_30 = vector.broadcast %jit3A_29 : f32 to vector<2048x512xf32>
    %select_n3A_31 = arith.select %eq3A_28, %convert_element_type3A, %broadcast_in_dim3A_30 : vector<2048x512xi1>, vector<2048x512xf32>
    %reduce_min3A_32 = arith.constant dense<0x7F800000> : vector<512xf32>
    %reduce_min3A_33 = vector.multi_reduction <minimumf>, %select_n3A_31, %reduce_min3A_32 [0] : vector<2048x512xf32> to vector<512xf32>
    %convert_element_type3A_34 = arith.fptosi %reduce_min3A_33 : vector<512xf32> to vector<512xi32>
    %add3A_35 = vector.broadcast %mul3A_24 : i32 to vector<512xi32>
    %add3A_36 = arith.addi %convert_element_type3A_34, %add3A_35 : vector<512xi32>
    %swap3A = arith.constant 0 : index
    %swap3A_37 = arith.constant 0 : index
    %swap3A_38 = arith.constant 0 : index
    %swap3A_39 = vector.load %arg4[%swap3A, %swap3A_37, %swap3A_38] : memref<1x24x512xi32, #tpu.memory_space<vmem>>, vector<1x1x512xi32>
    %swap3A_40 = vector.shape_cast %swap3A_39 : vector<1x1x512xi32> to vector<512xi32>
    %swap3A_41 = vector.shape_cast %add3A_36 : vector<512xi32> to vector<1x1x512xi32>
    tpu.vector_store %arg4[%swap3A, %swap3A_37, %swap3A_38], %swap3A_41 {strides = array<i32>} : memref<1x24x512xi32, #tpu.memory_space<vmem>>, vector<1x1x512xi32>,
    %jit3A_42 = arith.constant 0x7F800000 : f32
    %broadcast_in_dim3A_43 = vector.broadcast %jit3A_42 : f32 to vector<2048x512xf32>
    %select_n3A_44 = arith.select %eq3A_28, %broadcast_in_dim3A_43, %select_n3A : vector<2048x512xi1>, vector<2048x512xf32>
    %reduce_min3A_45 = arith.constant dense<0x7F800000> : vector<512xf32>
    %reduce_min3A_46 = vector.multi_reduction <minimumf>, %select_n3A_44, %reduce_min3A_45 [0] : vector<2048x512xf32> to vector<512xf32>
    %broadcast_in_dim3A_47 = vector.shape_cast %reduce_min3A_46 : vector<512xf32> to vector<1x512xf32>
    %eq3A_48 = vector.broadcast %broadcast_in_dim3A_47 : vector<1x512xf32> to vector<2048x512xf32>
    %eq3A_49 = arith.cmpf oeq, %select_n3A_44, %eq3A_48 : vector<2048x512xf32>
    %jit3A_50 = arith.constant 4.096000e+03 : f32
    %broadcast_in_dim3A_51 = vector.broadcast %jit3A_50 : f32 to vector<2048x512xf32>
    %select_n3A_52 = arith.select %eq3A_49, %convert_element_type3A, %broadcast_in_dim3A_51 : vector<2048x512xi1>, vector<2048x512xf32>
    %reduce_min3A_53 = arith.constant dense<0x7F800000> : vector<512xf32>
    %reduce_min3A_54 = vector.multi_reduction <minimumf>, %select_n3A_52, %reduce_min3A_53 [0] : vector<2048x512xf32> to vector<512xf32>
    %convert_element_type3A_55 = arith.fptosi %reduce_min3A_54 : vector<512xf32> to vector<512xi32>
    %add3A_56 = vector.broadcast %mul3A_24 : i32 to vector<512xi32>
    %add3A_57 = arith.addi %convert_element_type3A_55, %add3A_56 : vector<512xi32>
    %swap3A_58 = arith.constant 0 : index
    %swap3A_59 = arith.constant 1 : index
    %swap3A_60 = arith.constant 0 : index
    %swap3A_61 = vector.load %arg4[%swap3A_58, %swap3A_59, %swap3A_60] : memref<1x24x512xi32, #tpu.memory_space<vmem>>, vector<1x1x512xi32>
    %swap3A_62 = vector.shape_cast %swap3A_61 : vector<1x1x512xi32> to vector<512xi32>
    %swap3A_63 = vector.shape_cast %add3A_57 : vector<512xi32> to vector<1x1x512xi32>
    tpu.vector_store %arg4[%swap3A_58, %swap3A_59, %swap3A_60], %swap3A_63 {strides = array<i32>} : memref<1x24x512xi32, #tpu.memory_space<vmem>>, vector<1x1x512xi32>,
    %jit3A_64 = arith.constant 0x7F800000 : f32
    %broadcast_in_dim3A_65 = vector.broadcast %jit3A_64 : f32 to vector<2048x512xf32>
    %select_n3A_66 = arith.select %eq3A_49, %broadcast_in_dim3A_65, %select_n3A_44 : vector<2048x512xi1>, vector<2048x512xf32>
    %reduce_min3A_67 = arith.constant dense<0x7F800000> : vector<512xf32>
    %reduce_min3A_68 = vector.multi_reduction <minimumf>, %select_n3A_66, %reduce_min3A_67 [0] : vector<2048x512xf32> to vector<512xf32>
    %broadcast_in_dim3A_69 = vector.shape_cast %reduce_min3A_68 : vector<512xf32> to vector<1x512xf32>
    %eq3A_70 = vector.broadcast %broadcast_in_dim3A_69 : vector<1x512xf32> to vector<2048x512xf32>
    %eq3A_71 = arith.cmpf oeq, %select_n3A_66, %eq3A_70 : vector<2048x512xf32>
    %jit3A_72 = arith.constant 4.096000e+03 : f32
    %broadcast_in_dim3A_73 = vector.broadcast %jit3A_72 : f32 to vector<2048x512xf32>
    %select_n3A_74 = arith.select %eq3A_71, %convert_element_type3A, %broadcast_in_dim3A_73 : vector<2048x512xi1>, vector<2048x512xf32>
    %reduce_min3A_75 = arith.constant dense<0x7F800000> : vector<512xf32>
    %reduce_min3A_76 = vector.multi_reduction <minimumf>, %select_n3A_74, %reduce_min3A_75 [0] : vector<2048x512xf32> to vector<512xf32>
    %convert_element_type3A_77 = arith.fptosi %reduce_min3A_76 : vector<512xf32> to vector<512xi32>
    %add3A_78 = vector.broadcast %mul3A_24 : i32 to vector<512xi32>
    %add3A_79 = arith.addi %convert_element_type3A_77, %add3A_78 : vector<512xi32>
    %swap3A_80 = arith.constant 0 : index
    %swap3A_81 = arith.constant 2 : index
    %swap3A_82 = arith.constant 0 : index
    %swap3A_83 = vector.load %arg4[%swap3A_80, %swap3A_81, %swap3A_82] : memref<1x24x512xi32, #tpu.memory_space<vmem>>, vector<1x1x512xi32>
    %swap3A_84 = vector.shape_cast %swap3A_83 : vector<1x1x512xi32> to vector<512xi32>
    %swap3A_85 = vector.shape_cast %add3A_79 : vector<512xi32> to vector<1x1x512xi32>
    tpu.vector_store %arg4[%swap3A_80, %swap3A_81, %swap3A_82], %swap3A_85 {strides = array<i32>} : memref<1x24x512xi32, #tpu.memory_space<vmem>>, vector<1x1x512xi32>,
    %jit3A_86 = arith.constant 0x7F800000 : f32
    %broadcast_in_dim3A_87 = vector.broadcast %jit3A_86 : f32 to vector<2048x512xf32>
    %select_n3A_88 = arith.select %eq3A_71, %broadcast_in_dim3A_87, %select_n3A_66 : vector<2048x512xi1>, vector<2048x512xf32>
    %reduce_min3A_89 = arith.constant dense<0x7F800000> : vector<512xf32>
    %reduce_min3A_90 = vector.multi_reduction <minimumf>, %select_n3A_88, %reduce_min3A_89 [0] : vector<2048x512xf32> to vector<512xf32>
    %broadcast_in_dim3A_91 = vector.shape_cast %reduce_min3A_90 : vector<512xf32> to vector<1x512xf32>
    %eq3A_92 = vector.broadcast %broadcast_in_dim3A_91 : vector<1x512xf32> to vector<2048x512xf32>
    %eq3A_93 = arith.cmpf oeq, %select_n3A_88, %eq3A_92 : vector<2048x512xf32>
    %jit3A_94 = arith.constant 4.096000e+03 : f32
    %broadcast_in_dim3A_95 = vector.broadcast %jit3A_94 : f32 to vector<2048x512xf32>
    %select_n3A_96 = arith.select %eq3A_93, %convert_element_type3A, %broadcast_in_dim3A_95 : vector<2048x512xi1>, vector<2048x512xf32>
    %reduce_min3A_97 = arith.constant dense<0x7F800000> : vector<512xf32>
    %reduce_min3A_98 = vector.multi_reduction <minimumf>, %select_n3A_96, %reduce_min3A_97 [0] : vector<2048x512xf32> to vector<512xf32>
    %convert_element_type3A_99 = arith.fptosi %reduce_min3A_98 : vector<512xf32> to vector<512xi32>
    %add3A_100 = vector.broadcast %mul3A_24 : i32 to vector<512xi32>
    %add3A_101 = arith.addi %convert_element_type3A_99, %add3A_100 : vector<512xi32>
    %swap3A_102 = arith.constant 0 : index
    %swap3A_103 = arith.constant 3 : index
    %swap3A_104 = arith.constant 0 : index
    %swap3A_105 = vector.load %arg4[%swap3A_102, %swap3A_103, %swap3A_104] : memref<1x24x512xi32, #tpu.memory_space<vmem>>, vector<1x1x512xi32>
    %swap3A_106 = vector.shape_cast %swap3A_105 : vector<1x1x512xi32> to vector<512xi32>
    %swap3A_107 = vector.shape_cast %add3A_101 : vector<512xi32> to vector<1x1x512xi32>
    tpu.vector_store %arg4[%swap3A_102, %swap3A_103, %swap3A_104], %swap3A_107 {strides = array<i32>} : memref<1x24x512xi32, #tpu.memory_space<vmem>>, vector<1x1x512xi32>,
    %jit3A_108 = arith.constant 0x7F800000 : f32
    %broadcast_in_dim3A_109 = vector.broadcast %jit3A_108 : f32 to vector<2048x512xf32>
    %select_n3A_110 = arith.select %eq3A_93, %broadcast_in_dim3A_109, %select_n3A_88 : vector<2048x512xi1>, vector<2048x512xf32>
    %reduce_min3A_111 = arith.constant dense<0x7F800000> : vector<512xf32>
    %reduce_min3A_112 = vector.multi_reduction <minimumf>, %select_n3A_110, %reduce_min3A_111 [0] : vector<2048x512xf32> to vector<512xf32>
    %broadcast_in_dim3A_113 = vector.shape_cast %reduce_min3A_112 : vector<512xf32> to vector<1x512xf32>
    %eq3A_114 = vector.broadcast %broadcast_in_dim3A_113 : vector<1x512xf32> to vector<2048x512xf32>
    %eq3A_115 = arith.cmpf oeq, %select_n3A_110, %eq3A_114 : vector<2048x512xf32>
    %jit3A_116 = arith.constant 4.096000e+03 : f32
    %broadcast_in_dim3A_117 = vector.broadcast %jit3A_116 : f32 to vector<2048x512xf32>
    %select_n3A_118 = arith.select %eq3A_115, %convert_element_type3A, %broadcast_in_dim3A_117 : vector<2048x512xi1>, vector<2048x512xf32>
    %reduce_min3A_119 = arith.constant dense<0x7F800000> : vector<512xf32>
    %reduce_min3A_120 = vector.multi_reduction <minimumf>, %select_n3A_118, %reduce_min3A_119 [0] : vector<2048x512xf32> to vector<512xf32>
    %convert_element_type3A_121 = arith.fptosi %reduce_min3A_120 : vector<512xf32> to vector<512xi32>
    %add3A_122 = vector.broadcast %mul3A_24 : i32 to vector<512xi32>
    %add3A_123 = arith.addi %convert_element_type3A_121, %add3A_122 : vector<512xi32>
    %swap3A_124 = arith.constant 0 : index
    %swap3A_125 = arith.constant 4 : index
    %swap3A_126 = arith.constant 0 : index
    %swap3A_127 = vector.load %arg4[%swap3A_124, %swap3A_125, %swap3A_126] : memref<1x24x512xi32, #tpu.memory_space<vmem>>, vector<1x1x512xi32>
    %swap3A_128 = vector.shape_cast %swap3A_127 : vector<1x1x512xi32> to vector<512xi32>
    %swap3A_129 = vector.shape_cast %add3A_123 : vector<512xi32> to vector<1x1x512xi32>
    tpu.vector_store %arg4[%swap3A_124, %swap3A_125, %swap3A_126], %swap3A_129 {strides = array<i32>} : memref<1x24x512xi32, #tpu.memory_space<vmem>>, vector<1x1x512xi32>,
    %jit3A_130 = arith.constant 0x7F800000 : f32
    %broadcast_in_dim3A_131 = vector.broadcast %jit3A_130 : f32 to vector<2048x512xf32>
    %select_n3A_132 = arith.select %eq3A_115, %broadcast_in_dim3A_131, %select_n3A_110 : vector<2048x512xi1>, vector<2048x512xf32>
    %reduce_min3A_133 = arith.constant dense<0x7F800000> : vector<512xf32>
    %reduce_min3A_134 = vector.multi_reduction <minimumf>, %select_n3A_132, %reduce_min3A_133 [0] : vector<2048x512xf32> to vector<512xf32>
    %broadcast_in_dim3A_135 = vector.shape_cast %reduce_min3A_134 : vector<512xf32> to vector<1x512xf32>
    %eq3A_136 = vector.broadcast %broadcast_in_dim3A_135 : vector<1x512xf32> to vector<2048x512xf32>
    %eq3A_137 = arith.cmpf oeq, %select_n3A_132, %eq3A_136 : vector<2048x512xf32>
    %jit3A_138 = arith.constant 4.096000e+03 : f32
    %broadcast_in_dim3A_139 = vector.broadcast %jit3A_138 : f32 to vector<2048x512xf32>
    %select_n3A_140 = arith.select %eq3A_137, %convert_element_type3A, %broadcast_in_dim3A_139 : vector<2048x512xi1>, vector<2048x512xf32>
    %reduce_min3A_141 = arith.constant dense<0x7F800000> : vector<512xf32>
    %reduce_min3A_142 = vector.multi_reduction <minimumf>, %select_n3A_140, %reduce_min3A_141 [0] : vector<2048x512xf32> to vector<512xf32>
    %convert_element_type3A_143 = arith.fptosi %reduce_min3A_142 : vector<512xf32> to vector<512xi32>
    %add3A_144 = vector.broadcast %mul3A_24 : i32 to vector<512xi32>
    %add3A_145 = arith.addi %convert_element_type3A_143, %add3A_144 : vector<512xi32>
    %swap3A_146 = arith.constant 0 : index
    %swap3A_147 = arith.constant 5 : index
    %swap3A_148 = arith.constant 0 : index
    %swap3A_149 = vector.load %arg4[%swap3A_146, %swap3A_147, %swap3A_148] : memref<1x24x512xi32, #tpu.memory_space<vmem>>, vector<1x1x512xi32>
    %swap3A_150 = vector.shape_cast %swap3A_149 : vector<1x1x512xi32> to vector<512xi32>
    %swap3A_151 = vector.shape_cast %add3A_145 : vector<512xi32> to vector<1x1x512xi32>
    tpu.vector_store %arg4[%swap3A_146, %swap3A_147, %swap3A_148], %swap3A_151 {strides = array<i32>} : memref<1x24x512xi32, #tpu.memory_space<vmem>>, vector<1x1x512xi32>,
    %jit3A_152 = arith.constant 0x7F800000 : f32
    %broadcast_in_dim3A_153 = vector.broadcast %jit3A_152 : f32 to vector<2048x512xf32>
    %select_n3A_154 = arith.select %eq3A_137, %broadcast_in_dim3A_153, %select_n3A_132 : vector<2048x512xi1>, vector<2048x512xf32>
    %reduce_min3A_155 = arith.constant dense<0x7F800000> : vector<512xf32>
    %reduce_min3A_156 = vector.multi_reduction <minimumf>, %select_n3A_154, %reduce_min3A_155 [0] : vector<2048x512xf32> to vector<512xf32>
    %broadcast_in_dim3A_157 = vector.shape_cast %reduce_min3A_156 : vector<512xf32> to vector<1x512xf32>
    %eq3A_158 = vector.broadcast %broadcast_in_dim3A_157 : vector<1x512xf32> to vector<2048x512xf32>
    %eq3A_159 = arith.cmpf oeq, %select_n3A_154, %eq3A_158 : vector<2048x512xf32>
    %jit3A_160 = arith.constant 4.096000e+03 : f32
    %broadcast_in_dim3A_161 = vector.broadcast %jit3A_160 : f32 to vector<2048x512xf32>
    %select_n3A_162 = arith.select %eq3A_159, %convert_element_type3A, %broadcast_in_dim3A_161 : vector<2048x512xi1>, vector<2048x512xf32>
    %reduce_min3A_163 = arith.constant dense<0x7F800000> : vector<512xf32>
    %reduce_min3A_164 = vector.multi_reduction <minimumf>, %select_n3A_162, %reduce_min3A_163 [0] : vector<2048x512xf32> to vector<512xf32>
    %convert_element_type3A_165 = arith.fptosi %reduce_min3A_164 : vector<512xf32> to vector<512xi32>
    %add3A_166 = vector.broadcast %mul3A_24 : i32 to vector<512xi32>
    %add3A_167 = arith.addi %convert_element_type3A_165, %add3A_166 : vector<512xi32>
    %swap3A_168 = arith.constant 0 : index
    %swap3A_169 = arith.constant 6 : index
    %swap3A_170 = arith.constant 0 : index
    %swap3A_171 = vector.load %arg4[%swap3A_168, %swap3A_169, %swap3A_170] : memref<1x24x512xi32, #tpu.memory_space<vmem>>, vector<1x1x512xi32>
    %swap3A_172 = vector.shape_cast %swap3A_171 : vector<1x1x512xi32> to vector<512xi32>
    %swap3A_173 = vector.shape_cast %add3A_167 : vector<512xi32> to vector<1x1x512xi32>
    tpu.vector_store %arg4[%swap3A_168, %swap3A_169, %swap3A_170], %swap3A_173 {strides = array<i32>} : memref<1x24x512xi32, #tpu.memory_space<vmem>>, vector<1x1x512xi32>,
    %jit3A_174 = arith.constant 0x7F800000 : f32
    %broadcast_in_dim3A_175 = vector.broadcast %jit3A_174 : f32 to vector<2048x512xf32>
    %select_n3A_176 = arith.select %eq3A_159, %broadcast_in_dim3A_175, %select_n3A_154 : vector<2048x512xi1>, vector<2048x512xf32>
    %reduce_min3A_177 = arith.constant dense<0x7F800000> : vector<512xf32>
    %reduce_min3A_178 = vector.multi_reduction <minimumf>, %select_n3A_176, %reduce_min3A_177 [0] : vector<2048x512xf32> to vector<512xf32>
    %broadcast_in_dim3A_179 = vector.shape_cast %reduce_min3A_178 : vector<512xf32> to vector<1x512xf32>
    %eq3A_180 = vector.broadcast %broadcast_in_dim3A_179 : vector<1x512xf32> to vector<2048x512xf32>
    %eq3A_181 = arith.cmpf oeq, %select_n3A_176, %eq3A_180 : vector<2048x512xf32>
    %jit3A_182 = arith.constant 4.096000e+03 : f32
    %broadcast_in_dim3A_183 = vector.broadcast %jit3A_182 : f32 to vector<2048x512xf32>
    %select_n3A_184 = arith.select %eq3A_181, %convert_element_type3A, %broadcast_in_dim3A_183 : vector<2048x512xi1>, vector<2048x512xf32>
    %reduce_min3A_185 = arith.constant dense<0x7F800000> : vector<512xf32>
    %reduce_min3A_186 = vector.multi_reduction <minimumf>, %select_n3A_184, %reduce_min3A_185 [0] : vector<2048x512xf32> to vector<512xf32>
    %convert_element_type3A_187 = arith.fptosi %reduce_min3A_186 : vector<512xf32> to vector<512xi32>
    %add3A_188 = vector.broadcast %mul3A_24 : i32 to vector<512xi32>
    %add3A_189 = arith.addi %convert_element_type3A_187, %add3A_188 : vector<512xi32>
    %swap3A_190 = arith.constant 0 : index
    %swap3A_191 = arith.constant 7 : index
    %swap3A_192 = arith.constant 0 : index
    %swap3A_193 = vector.load %arg4[%swap3A_190, %swap3A_191, %swap3A_192] : memref<1x24x512xi32, #tpu.memory_space<vmem>>, vector<1x1x512xi32>
    %swap3A_194 = vector.shape_cast %swap3A_193 : vector<1x1x512xi32> to vector<512xi32>
    %swap3A_195 = vector.shape_cast %add3A_189 : vector<512xi32> to vector<1x1x512xi32>
    tpu.vector_store %arg4[%swap3A_190, %swap3A_191, %swap3A_192], %swap3A_195 {strides = array<i32>} : memref<1x24x512xi32, #tpu.memory_space<vmem>>, vector<1x1x512xi32>,
    %jit3A_196 = arith.constant 0x7F800000 : f32
    %broadcast_in_dim3A_197 = vector.broadcast %jit3A_196 : f32 to vector<2048x512xf32>
    %select_n3A_198 = arith.select %eq3A_181, %broadcast_in_dim3A_197, %select_n3A_176 : vector<2048x512xi1>, vector<2048x512xf32>
    %reduce_min3A_199 = arith.constant dense<0x7F800000> : vector<512xf32>
    %reduce_min3A_200 = vector.multi_reduction <minimumf>, %select_n3A_198, %reduce_min3A_199 [0] : vector<2048x512xf32> to vector<512xf32>
    %broadcast_in_dim3A_201 = vector.shape_cast %reduce_min3A_200 : vector<512xf32> to vector<1x512xf32>
    %eq3A_202 = vector.broadcast %broadcast_in_dim3A_201 : vector<1x512xf32> to vector<2048x512xf32>
    %eq3A_203 = arith.cmpf oeq, %select_n3A_198, %eq3A_202 : vector<2048x512xf32>
    %jit3A_204 = arith.constant 4.096000e+03 : f32
    %broadcast_in_dim3A_205 = vector.broadcast %jit3A_204 : f32 to vector<2048x512xf32>
    %select_n3A_206 = arith.select %eq3A_203, %convert_element_type3A, %broadcast_in_dim3A_205 : vector<2048x512xi1>, vector<2048x512xf32>
    %reduce_min3A_207 = arith.constant dense<0x7F800000> : vector<512xf32>
    %reduce_min3A_208 = vector.multi_reduction <minimumf>, %select_n3A_206, %reduce_min3A_207 [0] : vector<2048x512xf32> to vector<512xf32>
    %convert_element_type3A_209 = arith.fptosi %reduce_min3A_208 : vector<512xf32> to vector<512xi32>
    %add3A_210 = vector.broadcast %mul3A_24 : i32 to vector<512xi32>
    %add3A_211 = arith.addi %convert_element_type3A_209, %add3A_210 : vector<512xi32>
    %swap3A_212 = arith.constant 0 : index
    %swap3A_213 = arith.constant 8 : index
    %swap3A_214 = arith.constant 0 : index
    %swap3A_215 = vector.load %arg4[%swap3A_212, %swap3A_213, %swap3A_214] : memref<1x24x512xi32, #tpu.memory_space<vmem>>, vector<1x1x512xi32>
    %swap3A_216 = vector.shape_cast %swap3A_215 : vector<1x1x512xi32> to vector<512xi32>
    %swap3A_217 = vector.shape_cast %add3A_211 : vector<512xi32> to vector<1x1x512xi32>
    tpu.vector_store %arg4[%swap3A_212, %swap3A_213, %swap3A_214], %swap3A_217 {strides = array<i32>} : memref<1x24x512xi32, #tpu.memory_space<vmem>>, vector<1x1x512xi32>,
    %jit3A_218 = arith.constant 0x7F800000 : f32
    %broadcast_in_dim3A_219 = vector.broadcast %jit3A_218 : f32 to vector<2048x512xf32>
    %select_n3A_220 = arith.select %eq3A_203, %broadcast_in_dim3A_219, %select_n3A_198 : vector<2048x512xi1>, vector<2048x512xf32>
    %reduce_min3A_221 = arith.constant dense<0x7F800000> : vector<512xf32>
    %reduce_min3A_222 = vector.multi_reduction <minimumf>, %select_n3A_220, %reduce_min3A_221 [0] : vector<2048x512xf32> to vector<512xf32>
    %broadcast_in_dim3A_223 = vector.shape_cast %reduce_min3A_222 : vector<512xf32> to vector<1x512xf32>
    %eq3A_224 = vector.broadcast %broadcast_in_dim3A_223 : vector<1x512xf32> to vector<2048x512xf32>
    %eq3A_225 = arith.cmpf oeq, %select_n3A_220, %eq3A_224 : vector<2048x512xf32>
    %jit3A_226 = arith.constant 4.096000e+03 : f32
    %broadcast_in_dim3A_227 = vector.broadcast %jit3A_226 : f32 to vector<2048x512xf32>
    %select_n3A_228 = arith.select %eq3A_225, %convert_element_type3A, %broadcast_in_dim3A_227 : vector<2048x512xi1>, vector<2048x512xf32>
    %reduce_min3A_229 = arith.constant dense<0x7F800000> : vector<512xf32>
    %reduce_min3A_230 = vector.multi_reduction <minimumf>, %select_n3A_228, %reduce_min3A_229 [0] : vector<2048x512xf32> to vector<512xf32>
    %convert_element_type3A_231 = arith.fptosi %reduce_min3A_230 : vector<512xf32> to vector<512xi32>
    %add3A_232 = vector.broadcast %mul3A_24 : i32 to vector<512xi32>
    %add3A_233 = arith.addi %convert_element_type3A_231, %add3A_232 : vector<512xi32>
    %swap3A_234 = arith.constant 0 : index
    %swap3A_235 = arith.constant 9 : index
    %swap3A_236 = arith.constant 0 : index
    %swap3A_237 = vector.load %arg4[%swap3A_234, %swap3A_235, %swap3A_236] : memref<1x24x512xi32, #tpu.memory_space<vmem>>, vector<1x1x512xi32>
    %swap3A_238 = vector.shape_cast %swap3A_237 : vector<1x1x512xi32> to vector<512xi32>
    %swap3A_239 = vector.shape_cast %add3A_233 : vector<512xi32> to vector<1x1x512xi32>
    tpu.vector_store %arg4[%swap3A_234, %swap3A_235, %swap3A_236], %swap3A_239 {strides = array<i32>} : memref<1x24x512xi32, #tpu.memory_space<vmem>>, vector<1x1x512xi32>,
    %jit3A_240 = arith.constant 0x7F800000 : f32
    %broadcast_in_dim3A_241 = vector.broadcast %jit3A_240 : f32 to vector<2048x512xf32>
    %select_n3A_242 = arith.select %eq3A_225, %broadcast_in_dim3A_241, %select_n3A_220 : vector<2048x512xi1>, vector<2048x512xf32>
    %reduce_min3A_243 = arith.constant dense<0x7F800000> : vector<512xf32>
    %reduce_min3A_244 = vector.multi_reduction <minimumf>, %select_n3A_242, %reduce_min3A_243 [0] : vector<2048x512xf32> to vector<512xf32>
    %broadcast_in_dim3A_245 = vector.shape_cast %reduce_min3A_244 : vector<512xf32> to vector<1x512xf32>
    %eq3A_246 = vector.broadcast %broadcast_in_dim3A_245 : vector<1x512xf32> to vector<2048x512xf32>
    %eq3A_247 = arith.cmpf oeq, %select_n3A_242, %eq3A_246 : vector<2048x512xf32>
    %jit3A_248 = arith.constant 4.096000e+03 : f32
    %broadcast_in_dim3A_249 = vector.broadcast %jit3A_248 : f32 to vector<2048x512xf32>
    %select_n3A_250 = arith.select %eq3A_247, %convert_element_type3A, %broadcast_in_dim3A_249 : vector<2048x512xi1>, vector<2048x512xf32>
    %reduce_min3A_251 = arith.constant dense<0x7F800000> : vector<512xf32>
    %reduce_min3A_252 = vector.multi_reduction <minimumf>, %select_n3A_250, %reduce_min3A_251 [0] : vector<2048x512xf32> to vector<512xf32>
    %convert_element_type3A_253 = arith.fptosi %reduce_min3A_252 : vector<512xf32> to vector<512xi32>
    %add3A_254 = vector.broadcast %mul3A_24 : i32 to vector<512xi32>
    %add3A_255 = arith.addi %convert_element_type3A_253, %add3A_254 : vector<512xi32>
    %swap3A_256 = arith.constant 0 : index
    %swap3A_257 = arith.constant 10 : index
    %swap3A_258 = arith.constant 0 : index
    %swap3A_259 = vector.load %arg4[%swap3A_256, %swap3A_257, %swap3A_258] : memref<1x24x512xi32, #tpu.memory_space<vmem>>, vector<1x1x512xi32>
    %swap3A_260 = vector.shape_cast %swap3A_259 : vector<1x1x512xi32> to vector<512xi32>
    %swap3A_261 = vector.shape_cast %add3A_255 : vector<512xi32> to vector<1x1x512xi32>
    tpu.vector_store %arg4[%swap3A_256, %swap3A_257, %swap3A_258], %swap3A_261 {strides = array<i32>} : memref<1x24x512xi32, #tpu.memory_space<vmem>>, vector<1x1x512xi32>,
    %jit3A_262 = arith.constant 0x7F800000 : f32
    %broadcast_in_dim3A_263 = vector.broadcast %jit3A_262 : f32 to vector<2048x512xf32>
    %select_n3A_264 = arith.select %eq3A_247, %broadcast_in_dim3A_263, %select_n3A_242 : vector<2048x512xi1>, vector<2048x512xf32>
    %reduce_min3A_265 = arith.constant dense<0x7F800000> : vector<512xf32>
    %reduce_min3A_266 = vector.multi_reduction <minimumf>, %select_n3A_264, %reduce_min3A_265 [0] : vector<2048x512xf32> to vector<512xf32>
    %broadcast_in_dim3A_267 = vector.shape_cast %reduce_min3A_266 : vector<512xf32> to vector<1x512xf32>
    %eq3A_268 = vector.broadcast %broadcast_in_dim3A_267 : vector<1x512xf32> to vector<2048x512xf32>
    %eq3A_269 = arith.cmpf oeq, %select_n3A_264, %eq3A_268 : vector<2048x512xf32>
    %jit3A_270 = arith.constant 4.096000e+03 : f32
    %broadcast_in_dim3A_271 = vector.broadcast %jit3A_270 : f32 to vector<2048x512xf32>
    %select_n3A_272 = arith.select %eq3A_269, %convert_element_type3A, %broadcast_in_dim3A_271 : vector<2048x512xi1>, vector<2048x512xf32>
    %reduce_min3A_273 = arith.constant dense<0x7F800000> : vector<512xf32>
    %reduce_min3A_274 = vector.multi_reduction <minimumf>, %select_n3A_272, %reduce_min3A_273 [0] : vector<2048x512xf32> to vector<512xf32>
    %convert_element_type3A_275 = arith.fptosi %reduce_min3A_274 : vector<512xf32> to vector<512xi32>
    %add3A_276 = vector.broadcast %mul3A_24 : i32 to vector<512xi32>
    %add3A_277 = arith.addi %convert_element_type3A_275, %add3A_276 : vector<512xi32>
    %swap3A_278 = arith.constant 0 : index
    %swap3A_279 = arith.constant 11 : index
    %swap3A_280 = arith.constant 0 : index
    %swap3A_281 = vector.load %arg4[%swap3A_278, %swap3A_279, %swap3A_280] : memref<1x24x512xi32, #tpu.memory_space<vmem>>, vector<1x1x512xi32>
    %swap3A_282 = vector.shape_cast %swap3A_281 : vector<1x1x512xi32> to vector<512xi32>
    %swap3A_283 = vector.shape_cast %add3A_277 : vector<512xi32> to vector<1x1x512xi32>
    tpu.vector_store %arg4[%swap3A_278, %swap3A_279, %swap3A_280], %swap3A_283 {strides = array<i32>} : memref<1x24x512xi32, #tpu.memory_space<vmem>>, vector<1x1x512xi32>,
    %jit3A_284 = arith.constant 0x7F800000 : f32
    %broadcast_in_dim3A_285 = vector.broadcast %jit3A_284 : f32 to vector<2048x512xf32>
    %select_n3A_286 = arith.select %eq3A_269, %broadcast_in_dim3A_285, %select_n3A_264 : vector<2048x512xi1>, vector<2048x512xf32>
    %reduce_min3A_287 = arith.constant dense<0x7F800000> : vector<512xf32>
    %reduce_min3A_288 = vector.multi_reduction <minimumf>, %select_n3A_286, %reduce_min3A_287 [0] : vector<2048x512xf32> to vector<512xf32>
    %broadcast_in_dim3A_289 = vector.shape_cast %reduce_min3A_288 : vector<512xf32> to vector<1x512xf32>
    %eq3A_290 = vector.broadcast %broadcast_in_dim3A_289 : vector<1x512xf32> to vector<2048x512xf32>
    %eq3A_291 = arith.cmpf oeq, %select_n3A_286, %eq3A_290 : vector<2048x512xf32>
    %jit3A_292 = arith.constant 4.096000e+03 : f32
    %broadcast_in_dim3A_293 = vector.broadcast %jit3A_292 : f32 to vector<2048x512xf32>
    %select_n3A_294 = arith.select %eq3A_291, %convert_element_type3A, %broadcast_in_dim3A_293 : vector<2048x512xi1>, vector<2048x512xf32>
    %reduce_min3A_295 = arith.constant dense<0x7F800000> : vector<512xf32>
    %reduce_min3A_296 = vector.multi_reduction <minimumf>, %select_n3A_294, %reduce_min3A_295 [0] : vector<2048x512xf32> to vector<512xf32>
    %convert_element_type3A_297 = arith.fptosi %reduce_min3A_296 : vector<512xf32> to vector<512xi32>
    %add3A_298 = vector.broadcast %mul3A_24 : i32 to vector<512xi32>
    %add3A_299 = arith.addi %convert_element_type3A_297, %add3A_298 : vector<512xi32>
    %swap3A_300 = arith.constant 0 : index
    %swap3A_301 = arith.constant 12 : index
    %swap3A_302 = arith.constant 0 : index
    %swap3A_303 = vector.load %arg4[%swap3A_300, %swap3A_301, %swap3A_302] : memref<1x24x512xi32, #tpu.memory_space<vmem>>, vector<1x1x512xi32>
    %swap3A_304 = vector.shape_cast %swap3A_303 : vector<1x1x512xi32> to vector<512xi32>
    %swap3A_305 = vector.shape_cast %add3A_299 : vector<512xi32> to vector<1x1x512xi32>
    tpu.vector_store %arg4[%swap3A_300, %swap3A_301, %swap3A_302], %swap3A_305 {strides = array<i32>} : memref<1x24x512xi32, #tpu.memory_space<vmem>>, vector<1x1x512xi32>,
    %jit3A_306 = arith.constant 0x7F800000 : f32
    %broadcast_in_dim3A_307 = vector.broadcast %jit3A_306 : f32 to vector<2048x512xf32>
    %select_n3A_308 = arith.select %eq3A_291, %broadcast_in_dim3A_307, %select_n3A_286 : vector<2048x512xi1>, vector<2048x512xf32>
    %reduce_min3A_309 = arith.constant dense<0x7F800000> : vector<512xf32>
    %reduce_min3A_310 = vector.multi_reduction <minimumf>, %select_n3A_308, %reduce_min3A_309 [0] : vector<2048x512xf32> to vector<512xf32>
    %broadcast_in_dim3A_311 = vector.shape_cast %reduce_min3A_310 : vector<512xf32> to vector<1x512xf32>
    %eq3A_312 = vector.broadcast %broadcast_in_dim3A_311 : vector<1x512xf32> to vector<2048x512xf32>
    %eq3A_313 = arith.cmpf oeq, %select_n3A_308, %eq3A_312 : vector<2048x512xf32>
    %jit3A_314 = arith.constant 4.096000e+03 : f32
    %broadcast_in_dim3A_315 = vector.broadcast %jit3A_314 : f32 to vector<2048x512xf32>
    %select_n3A_316 = arith.select %eq3A_313, %convert_element_type3A, %broadcast_in_dim3A_315 : vector<2048x512xi1>, vector<2048x512xf32>
    %reduce_min3A_317 = arith.constant dense<0x7F800000> : vector<512xf32>
    %reduce_min3A_318 = vector.multi_reduction <minimumf>, %select_n3A_316, %reduce_min3A_317 [0] : vector<2048x512xf32> to vector<512xf32>
    %convert_element_type3A_319 = arith.fptosi %reduce_min3A_318 : vector<512xf32> to vector<512xi32>
    %add3A_320 = vector.broadcast %mul3A_24 : i32 to vector<512xi32>
    %add3A_321 = arith.addi %convert_element_type3A_319, %add3A_320 : vector<512xi32>
    %swap3A_322 = arith.constant 0 : index
    %swap3A_323 = arith.constant 13 : index
    %swap3A_324 = arith.constant 0 : index
    %swap3A_325 = vector.load %arg4[%swap3A_322, %swap3A_323, %swap3A_324] : memref<1x24x512xi32, #tpu.memory_space<vmem>>, vector<1x1x512xi32>
    %swap3A_326 = vector.shape_cast %swap3A_325 : vector<1x1x512xi32> to vector<512xi32>
    %swap3A_327 = vector.shape_cast %add3A_321 : vector<512xi32> to vector<1x1x512xi32>
    tpu.vector_store %arg4[%swap3A_322, %swap3A_323, %swap3A_324], %swap3A_327 {strides = array<i32>} : memref<1x24x512xi32, #tpu.memory_space<vmem>>, vector<1x1x512xi32>,
    %jit3A_328 = arith.constant 0x7F800000 : f32
    %broadcast_in_dim3A_329 = vector.broadcast %jit3A_328 : f32 to vector<2048x512xf32>
    %select_n3A_330 = arith.select %eq3A_313, %broadcast_in_dim3A_329, %select_n3A_308 : vector<2048x512xi1>, vector<2048x512xf32>
    %reduce_min3A_331 = arith.constant dense<0x7F800000> : vector<512xf32>
    %reduce_min3A_332 = vector.multi_reduction <minimumf>, %select_n3A_330, %reduce_min3A_331 [0] : vector<2048x512xf32> to vector<512xf32>
    %broadcast_in_dim3A_333 = vector.shape_cast %reduce_min3A_332 : vector<512xf32> to vector<1x512xf32>
    %eq3A_334 = vector.broadcast %broadcast_in_dim3A_333 : vector<1x512xf32> to vector<2048x512xf32>
    %eq3A_335 = arith.cmpf oeq, %select_n3A_330, %eq3A_334 : vector<2048x512xf32>
    %jit3A_336 = arith.constant 4.096000e+03 : f32
    %broadcast_in_dim3A_337 = vector.broadcast %jit3A_336 : f32 to vector<2048x512xf32>
    %select_n3A_338 = arith.select %eq3A_335, %convert_element_type3A, %broadcast_in_dim3A_337 : vector<2048x512xi1>, vector<2048x512xf32>
    %reduce_min3A_339 = arith.constant dense<0x7F800000> : vector<512xf32>
    %reduce_min3A_340 = vector.multi_reduction <minimumf>, %select_n3A_338, %reduce_min3A_339 [0] : vector<2048x512xf32> to vector<512xf32>
    %convert_element_type3A_341 = arith.fptosi %reduce_min3A_340 : vector<512xf32> to vector<512xi32>
    %add3A_342 = vector.broadcast %mul3A_24 : i32 to vector<512xi32>
    %add3A_343 = arith.addi %convert_element_type3A_341, %add3A_342 : vector<512xi32>
    %swap3A_344 = arith.constant 0 : index
    %swap3A_345 = arith.constant 14 : index
    %swap3A_346 = arith.constant 0 : index
    %swap3A_347 = vector.load %arg4[%swap3A_344, %swap3A_345, %swap3A_346] : memref<1x24x512xi32, #tpu.memory_space<vmem>>, vector<1x1x512xi32>
    %swap3A_348 = vector.shape_cast %swap3A_347 : vector<1x1x512xi32> to vector<512xi32>
    %swap3A_349 = vector.shape_cast %add3A_343 : vector<512xi32> to vector<1x1x512xi32>
    tpu.vector_store %arg4[%swap3A_344, %swap3A_345, %swap3A_346], %swap3A_349 {strides = array<i32>} : memref<1x24x512xi32, #tpu.memory_space<vmem>>, vector<1x1x512xi32>,
    %jit3A_350 = arith.constant 0x7F800000 : f32
    %broadcast_in_dim3A_351 = vector.broadcast %jit3A_350 : f32 to vector<2048x512xf32>
    %select_n3A_352 = arith.select %eq3A_335, %broadcast_in_dim3A_351, %select_n3A_330 : vector<2048x512xi1>, vector<2048x512xf32>
    %reduce_min3A_353 = arith.constant dense<0x7F800000> : vector<512xf32>
    %reduce_min3A_354 = vector.multi_reduction <minimumf>, %select_n3A_352, %reduce_min3A_353 [0] : vector<2048x512xf32> to vector<512xf32>
    %broadcast_in_dim3A_355 = vector.shape_cast %reduce_min3A_354 : vector<512xf32> to vector<1x512xf32>
    %eq3A_356 = vector.broadcast %broadcast_in_dim3A_355 : vector<1x512xf32> to vector<2048x512xf32>
    %eq3A_357 = arith.cmpf oeq, %select_n3A_352, %eq3A_356 : vector<2048x512xf32>
    %jit3A_358 = arith.constant 4.096000e+03 : f32
    %broadcast_in_dim3A_359 = vector.broadcast %jit3A_358 : f32 to vector<2048x512xf32>
    %select_n3A_360 = arith.select %eq3A_357, %convert_element_type3A, %broadcast_in_dim3A_359 : vector<2048x512xi1>, vector<2048x512xf32>
    %reduce_min3A_361 = arith.constant dense<0x7F800000> : vector<512xf32>
    %reduce_min3A_362 = vector.multi_reduction <minimumf>, %select_n3A_360, %reduce_min3A_361 [0] : vector<2048x512xf32> to vector<512xf32>
    %convert_element_type3A_363 = arith.fptosi %reduce_min3A_362 : vector<512xf32> to vector<512xi32>
    %add3A_364 = vector.broadcast %mul3A_24 : i32 to vector<512xi32>
    %add3A_365 = arith.addi %convert_element_type3A_363, %add3A_364 : vector<512xi32>
    %swap3A_366 = arith.constant 0 : index
    %swap3A_367 = arith.constant 15 : index
    %swap3A_368 = arith.constant 0 : index
    %swap3A_369 = vector.load %arg4[%swap3A_366, %swap3A_367, %swap3A_368] : memref<1x24x512xi32, #tpu.memory_space<vmem>>, vector<1x1x512xi32>
    %swap3A_370 = vector.shape_cast %swap3A_369 : vector<1x1x512xi32> to vector<512xi32>
    %swap3A_371 = vector.shape_cast %add3A_365 : vector<512xi32> to vector<1x1x512xi32>
    tpu.vector_store %arg4[%swap3A_366, %swap3A_367, %swap3A_368], %swap3A_371 {strides = array<i32>} : memref<1x24x512xi32, #tpu.memory_space<vmem>>, vector<1x1x512xi32>,
    %jit3A_372 = arith.constant 0x7F800000 : f32
    %broadcast_in_dim3A_373 = vector.broadcast %jit3A_372 : f32 to vector<2048x512xf32>
    %select_n3A_374 = arith.select %eq3A_357, %broadcast_in_dim3A_373, %select_n3A_352 : vector<2048x512xi1>, vector<2048x512xf32>
    %reduce_min3A_375 = arith.constant dense<0x7F800000> : vector<512xf32>
    %reduce_min3A_376 = vector.multi_reduction <minimumf>, %select_n3A_374, %reduce_min3A_375 [0] : vector<2048x512xf32> to vector<512xf32>
    %broadcast_in_dim3A_377 = vector.shape_cast %reduce_min3A_376 : vector<512xf32> to vector<1x512xf32>
    %eq3A_378 = vector.broadcast %broadcast_in_dim3A_377 : vector<1x512xf32> to vector<2048x512xf32>
    %eq3A_379 = arith.cmpf oeq, %select_n3A_374, %eq3A_378 : vector<2048x512xf32>
    %jit3A_380 = arith.constant 4.096000e+03 : f32
    %broadcast_in_dim3A_381 = vector.broadcast %jit3A_380 : f32 to vector<2048x512xf32>
    %select_n3A_382 = arith.select %eq3A_379, %convert_element_type3A, %broadcast_in_dim3A_381 : vector<2048x512xi1>, vector<2048x512xf32>
    %reduce_min3A_383 = arith.constant dense<0x7F800000> : vector<512xf32>
    %reduce_min3A_384 = vector.multi_reduction <minimumf>, %select_n3A_382, %reduce_min3A_383 [0] : vector<2048x512xf32> to vector<512xf32>
    %convert_element_type3A_385 = arith.fptosi %reduce_min3A_384 : vector<512xf32> to vector<512xi32>
    %add3A_386 = vector.broadcast %mul3A_24 : i32 to vector<512xi32>
    %add3A_387 = arith.addi %convert_element_type3A_385, %add3A_386 : vector<512xi32>
    %swap3A_388 = arith.constant 0 : index
    %swap3A_389 = arith.constant 16 : index
    %swap3A_390 = arith.constant 0 : index
    %swap3A_391 = vector.load %arg4[%swap3A_388, %swap3A_389, %swap3A_390] : memref<1x24x512xi32, #tpu.memory_space<vmem>>, vector<1x1x512xi32>
    %swap3A_392 = vector.shape_cast %swap3A_391 : vector<1x1x512xi32> to vector<512xi32>
    %swap3A_393 = vector.shape_cast %add3A_387 : vector<512xi32> to vector<1x1x512xi32>
    tpu.vector_store %arg4[%swap3A_388, %swap3A_389, %swap3A_390], %swap3A_393 {strides = array<i32>} : memref<1x24x512xi32, #tpu.memory_space<vmem>>, vector<1x1x512xi32>,
    %jit3A_394 = arith.constant 0x7F800000 : f32
    %broadcast_in_dim3A_395 = vector.broadcast %jit3A_394 : f32 to vector<2048x512xf32>
    %select_n3A_396 = arith.select %eq3A_379, %broadcast_in_dim3A_395, %select_n3A_374 : vector<2048x512xi1>, vector<2048x512xf32>
    %reduce_min3A_397 = arith.constant dense<0x7F800000> : vector<512xf32>
    %reduce_min3A_398 = vector.multi_reduction <minimumf>, %select_n3A_396, %reduce_min3A_397 [0] : vector<2048x512xf32> to vector<512xf32>
    %broadcast_in_dim3A_399 = vector.shape_cast %reduce_min3A_398 : vector<512xf32> to vector<1x512xf32>
    %eq3A_400 = vector.broadcast %broadcast_in_dim3A_399 : vector<1x512xf32> to vector<2048x512xf32>
    %eq3A_401 = arith.cmpf oeq, %select_n3A_396, %eq3A_400 : vector<2048x512xf32>
    %jit3A_402 = arith.constant 4.096000e+03 : f32
    %broadcast_in_dim3A_403 = vector.broadcast %jit3A_402 : f32 to vector<2048x512xf32>
    %select_n3A_404 = arith.select %eq3A_401, %convert_element_type3A, %broadcast_in_dim3A_403 : vector<2048x512xi1>, vector<2048x512xf32>
    %reduce_min3A_405 = arith.constant dense<0x7F800000> : vector<512xf32>
    %reduce_min3A_406 = vector.multi_reduction <minimumf>, %select_n3A_404, %reduce_min3A_405 [0] : vector<2048x512xf32> to vector<512xf32>
    %convert_element_type3A_407 = arith.fptosi %reduce_min3A_406 : vector<512xf32> to vector<512xi32>
    %add3A_408 = vector.broadcast %mul3A_24 : i32 to vector<512xi32>
    %add3A_409 = arith.addi %convert_element_type3A_407, %add3A_408 : vector<512xi32>
    %swap3A_410 = arith.constant 0 : index
    %swap3A_411 = arith.constant 17 : index
    %swap3A_412 = arith.constant 0 : index
    %swap3A_413 = vector.load %arg4[%swap3A_410, %swap3A_411, %swap3A_412] : memref<1x24x512xi32, #tpu.memory_space<vmem>>, vector<1x1x512xi32>
    %swap3A_414 = vector.shape_cast %swap3A_413 : vector<1x1x512xi32> to vector<512xi32>
    %swap3A_415 = vector.shape_cast %add3A_409 : vector<512xi32> to vector<1x1x512xi32>
    tpu.vector_store %arg4[%swap3A_410, %swap3A_411, %swap3A_412], %swap3A_415 {strides = array<i32>} : memref<1x24x512xi32, #tpu.memory_space<vmem>>, vector<1x1x512xi32>,
    %jit3A_416 = arith.constant 0x7F800000 : f32
    %broadcast_in_dim3A_417 = vector.broadcast %jit3A_416 : f32 to vector<2048x512xf32>
    %select_n3A_418 = arith.select %eq3A_401, %broadcast_in_dim3A_417, %select_n3A_396 : vector<2048x512xi1>, vector<2048x512xf32>
    %reduce_min3A_419 = arith.constant dense<0x7F800000> : vector<512xf32>
    %reduce_min3A_420 = vector.multi_reduction <minimumf>, %select_n3A_418, %reduce_min3A_419 [0] : vector<2048x512xf32> to vector<512xf32>
    %broadcast_in_dim3A_421 = vector.shape_cast %reduce_min3A_420 : vector<512xf32> to vector<1x512xf32>
    %eq3A_422 = vector.broadcast %broadcast_in_dim3A_421 : vector<1x512xf32> to vector<2048x512xf32>
    %eq3A_423 = arith.cmpf oeq, %select_n3A_418, %eq3A_422 : vector<2048x512xf32>
    %jit3A_424 = arith.constant 4.096000e+03 : f32
    %broadcast_in_dim3A_425 = vector.broadcast %jit3A_424 : f32 to vector<2048x512xf32>
    %select_n3A_426 = arith.select %eq3A_423, %convert_element_type3A, %broadcast_in_dim3A_425 : vector<2048x512xi1>, vector<2048x512xf32>
    %reduce_min3A_427 = arith.constant dense<0x7F800000> : vector<512xf32>
    %reduce_min3A_428 = vector.multi_reduction <minimumf>, %select_n3A_426, %reduce_min3A_427 [0] : vector<2048x512xf32> to vector<512xf32>
    %convert_element_type3A_429 = arith.fptosi %reduce_min3A_428 : vector<512xf32> to vector<512xi32>
    %add3A_430 = vector.broadcast %mul3A_24 : i32 to vector<512xi32>
    %add3A_431 = arith.addi %convert_element_type3A_429, %add3A_430 : vector<512xi32>
    %swap3A_432 = arith.constant 0 : index
    %swap3A_433 = arith.constant 18 : index
    %swap3A_434 = arith.constant 0 : index
    %swap3A_435 = vector.load %arg4[%swap3A_432, %swap3A_433, %swap3A_434] : memref<1x24x512xi32, #tpu.memory_space<vmem>>, vector<1x1x512xi32>
    %swap3A_436 = vector.shape_cast %swap3A_435 : vector<1x1x512xi32> to vector<512xi32>
    %swap3A_437 = vector.shape_cast %add3A_431 : vector<512xi32> to vector<1x1x512xi32>
    tpu.vector_store %arg4[%swap3A_432, %swap3A_433, %swap3A_434], %swap3A_437 {strides = array<i32>} : memref<1x24x512xi32, #tpu.memory_space<vmem>>, vector<1x1x512xi32>,
    %jit3A_438 = arith.constant 0x7F800000 : f32
    %broadcast_in_dim3A_439 = vector.broadcast %jit3A_438 : f32 to vector<2048x512xf32>
    %select_n3A_440 = arith.select %eq3A_423, %broadcast_in_dim3A_439, %select_n3A_418 : vector<2048x512xi1>, vector<2048x512xf32>
    %reduce_min3A_441 = arith.constant dense<0x7F800000> : vector<512xf32>
    %reduce_min3A_442 = vector.multi_reduction <minimumf>, %select_n3A_440, %reduce_min3A_441 [0] : vector<2048x512xf32> to vector<512xf32>
    %broadcast_in_dim3A_443 = vector.shape_cast %reduce_min3A_442 : vector<512xf32> to vector<1x512xf32>
    %eq3A_444 = vector.broadcast %broadcast_in_dim3A_443 : vector<1x512xf32> to vector<2048x512xf32>
    %eq3A_445 = arith.cmpf oeq, %select_n3A_440, %eq3A_444 : vector<2048x512xf32>
    %jit3A_446 = arith.constant 4.096000e+03 : f32
    %broadcast_in_dim3A_447 = vector.broadcast %jit3A_446 : f32 to vector<2048x512xf32>
    %select_n3A_448 = arith.select %eq3A_445, %convert_element_type3A, %broadcast_in_dim3A_447 : vector<2048x512xi1>, vector<2048x512xf32>
    %reduce_min3A_449 = arith.constant dense<0x7F800000> : vector<512xf32>
    %reduce_min3A_450 = vector.multi_reduction <minimumf>, %select_n3A_448, %reduce_min3A_449 [0] : vector<2048x512xf32> to vector<512xf32>
    %convert_element_type3A_451 = arith.fptosi %reduce_min3A_450 : vector<512xf32> to vector<512xi32>
    %add3A_452 = vector.broadcast %mul3A_24 : i32 to vector<512xi32>
    %add3A_453 = arith.addi %convert_element_type3A_451, %add3A_452 : vector<512xi32>
    %swap3A_454 = arith.constant 0 : index
    %swap3A_455 = arith.constant 19 : index
    %swap3A_456 = arith.constant 0 : index
    %swap3A_457 = vector.load %arg4[%swap3A_454, %swap3A_455, %swap3A_456] : memref<1x24x512xi32, #tpu.memory_space<vmem>>, vector<1x1x512xi32>
    %swap3A_458 = vector.shape_cast %swap3A_457 : vector<1x1x512xi32> to vector<512xi32>
    %swap3A_459 = vector.shape_cast %add3A_453 : vector<512xi32> to vector<1x1x512xi32>
    tpu.vector_store %arg4[%swap3A_454, %swap3A_455, %swap3A_456], %swap3A_459 {strides = array<i32>} : memref<1x24x512xi32, #tpu.memory_space<vmem>>, vector<1x1x512xi32>,
    %broadcast_in_dim3A_460 = arith.constant 0 : i32
    %broadcast_in_dim3A_461 = vector.broadcast %broadcast_in_dim3A_460 : i32 to vector<4x512xi32>
    %swap3A_462 = arith.constant 0 : index
    %swap3A_463 = arith.constant 20 : index
    %swap3A_464 = arith.constant 0 : index
    %swap3A_465 = vector.load %arg4[%swap3A_462, %swap3A_463, %swap3A_464] : memref<1x24x512xi32, #tpu.memory_space<vmem>>, vector<1x4x512xi32>
    %swap3A_466 = vector.shape_cast %swap3A_465 : vector<1x4x512xi32> to vector<4x512xi32>
    %swap3A_467 = vector.shape_cast %broadcast_in_dim3A_461 : vector<4x512xi32> to vector<1x4x512xi32>
    tpu.vector_store %arg4[%swap3A_462, %swap3A_463, %swap3A_464], %swap3A_467 {strides = array<i32>} : memref<1x24x512xi32, #tpu.memory_space<vmem>>, vector<1x4x512xi32>,
    return
  }
  func.func @transform_0(%arg0: i32, %arg1: i32) -> (i32, i32, i32) {
    %c0_i32 = arith.constant 0 : i32
    %c0_i32_0 = arith.constant 0 : i32
    %c0_i32_1 = arith.constant 0 : i32
    return %arg0, %c0_i32, %c0_i32_0 : i32, i32, i32
  }
  func.func @transform_1(%arg0: i32, %arg1: i32) -> (i32, i32, i32) {
    %c0_i32 = arith.constant 0 : i32
    %c0_i32_0 = arith.constant 0 : i32
    return %arg0, %c0_i32, %arg1 : i32, i32, i32
  }
  func.func @transform_2(%arg0: i32, %arg1: i32) -> (i32, i32, i32) {
    %c0_i32 = arith.constant 0 : i32
    %c0_i32_0 = arith.constant 0 : i32
    return %arg0, %c0_i32, %arg1 : i32, i32, i32
  }
}

module attributes {stable_mosaic.version = 14 : i64} {
  func.func @_mlp_body(%arg0: i32, %arg1: i32, %arg2: memref<1x256x64xf32, #tpu.memory_space<vmem>>, %arg3: memref<1x20x256x64xf32, #tpu.memory_space<vmem>>, %arg4: memref<128x256xf32, #tpu.memory_space<vmem>>, %arg5: memref<1x256xf32, #tpu.memory_space<vmem>>, %arg6: memref<256x256xf32, #tpu.memory_space<vmem>>, %arg7: memref<1x256xf32, #tpu.memory_space<vmem>>, %arg8: memref<1x256x256xf32, #tpu.memory_space<vmem>>) attributes {dimension_semantics = [#tpu.dimension_semantics<parallel>, #tpu.dimension_semantics<parallel>], iteration_bounds = array<i64: 8, 8>, scalar_prefetch = 0 : i64, scratch_operands = 0 : i64, tpu.core_type = #tpu.core_type<tc>, window_params = [{transform_indices = @transform_0, window_bounds = array<i64: 1, 256, 64>}, {transform_indices = @transform_1, window_bounds = array<i64: 1, 20, 256, 64>}, {pipeline_mode = #tpu.pipeline_mode<synchronous>, transform_indices = @transform_2, window_bounds = array<i64: 128, 256>}, {pipeline_mode = #tpu.pipeline_mode<synchronous>, transform_indices = @transform_3, window_bounds = array<i64: 1, 256>}, {pipeline_mode = #tpu.pipeline_mode<synchronous>, transform_indices = @transform_4, window_bounds = array<i64: 256, 256>}, {pipeline_mode = #tpu.pipeline_mode<synchronous>, transform_indices = @transform_5, window_bounds = array<i64: 1, 256>}, {transform_indices = @transform_6, window_bounds = array<i64: 1, 256, 256>}]} {
    %get3A = arith.constant 0 : index
    %get3A_0 = arith.constant 0 : index
    %get3A_1 = vector.load %arg4[%get3A, %get3A_0] : memref<128x256xf32, #tpu.memory_space<vmem>>, vector<64x256xf32>
    %get3A_2 = arith.constant 64 : index
    %get3A_3 = arith.constant 0 : index
    %get3A_4 = vector.load %arg4[%get3A_2, %get3A_3] : memref<128x256xf32, #tpu.memory_space<vmem>>, vector<64x256xf32>
    %get3A_5 = arith.constant 0 : index
    %get3A_6 = arith.constant 0 : index
    %get3A_7 = arith.constant 0 : index
    %get3A_8 = vector.load %arg2[%get3A_5, %get3A_6, %get3A_7] : memref<1x256x64xf32, #tpu.memory_space<vmem>>, vector<1x256x64xf32>
    %get3A_9 = vector.shape_cast %get3A_8 : vector<1x256x64xf32> to vector<256x64xf32>
    %sub3A = arith.subf %get3A_1, %get3A_4 : vector<64x256xf32>
    %dot_general3A = arith.constant dense<0.000000e+00> : vector<256x256xf32>
    %dot_general3A_10 = tpu.matmul %get3A_9, %sub3A, %dot_general3A {dimension_numbers = #tpu.dot_dimension_numbers<[1], [0], [0], [1], [0, 0, 1, 1], [], []>, transpose_lhs_hint = false} : vector<256x64xf32>, vector<64x256xf32>, vector<256x256xf32> -> vector<256x256xf32>
    %get3A_11 = arith.constant 0 : index
    %get3A_12 = arith.constant 0 : index
    %get3A_13 = vector.load %arg5[%get3A_11, %get3A_12] : memref<1x256xf32, #tpu.memory_space<vmem>>, vector<1x256xf32>
    %add3A = vector.broadcast %get3A_13 : vector<1x256xf32> to vector<256x256xf32>
    %add3A_14 = arith.addf %dot_general3A_10, %add3A : vector<256x256xf32>
    %get3A_15 = arith.constant 0 : index
    %get3A_16 = arith.constant 0 : index
    %get3A_17 = arith.constant 0 : index
    %get3A_18 = arith.constant 0 : index
    %get3A_19 = vector.load %arg3[%get3A_15, %get3A_16, %get3A_17, %get3A_18] : memref<1x20x256x64xf32, #tpu.memory_space<vmem>>, vector<1x20x256x64xf32>
    %get3A_20 = vector.shape_cast %get3A_19 : vector<1x20x256x64xf32> to vector<20x256x64xf32>
    %reshape3A = vector.shape_cast %get3A_20 : vector<20x256x64xf32> to vector<5120x64xf32>
    %dot_general3A_21 = arith.constant dense<0.000000e+00> : vector<5120x256xf32>
    %dot_general3A_22 = tpu.matmul %reshape3A, %get3A_4, %dot_general3A_21 {dimension_numbers = #tpu.dot_dimension_numbers<[1], [0], [0], [1], [0, 0, 1, 1], [], []>, transpose_lhs_hint = false} : vector<5120x64xf32>, vector<64x256xf32>, vector<5120x256xf32> -> vector<5120x256xf32>
    %reshape3A_23 = vector.shape_cast %dot_general3A_22 : vector<5120x256xf32> to vector<20x256x256xf32>
    %broadcast_in_dim3A = vector.shape_cast %add3A_14 : vector<256x256xf32> to vector<1x256x256xf32>
    %add3A_24 = vector.broadcast %broadcast_in_dim3A : vector<1x256x256xf32> to vector<20x256x256xf32>
    %add3A_25 = arith.addf %reshape3A_23, %add3A_24 : vector<20x256x256xf32>
    %max3A = arith.constant 0.000000e+00 : f32
    %max3A_26 = vector.broadcast %max3A : f32 to vector<20x256x256xf32>
    %max3A_27 = arith.maximumf %add3A_25, %max3A_26 : vector<20x256x256xf32>
    %reshape3A_28 = vector.shape_cast %max3A_27 : vector<20x256x256xf32> to vector<5120x256xf32>
    %get3A_29 = arith.constant 0 : index
    %get3A_30 = arith.constant 0 : index
    %get3A_31 = vector.load %arg6[%get3A_29, %get3A_30] : memref<256x256xf32, #tpu.memory_space<vmem>>, vector<256x256xf32>
    %dot_general3A_32 = arith.constant dense<0.000000e+00> : vector<5120x256xf32>
    %dot_general3A_33 = tpu.matmul %reshape3A_28, %get3A_31, %dot_general3A_32 {dimension_numbers = #tpu.dot_dimension_numbers<[1], [0], [0], [1], [0, 0, 1, 1], [], []>, transpose_lhs_hint = false} : vector<5120x256xf32>, vector<256x256xf32>, vector<5120x256xf32> -> vector<5120x256xf32>
    %get3A_34 = arith.constant 0 : index
    %get3A_35 = arith.constant 0 : index
    %get3A_36 = vector.load %arg7[%get3A_34, %get3A_35] : memref<1x256xf32, #tpu.memory_space<vmem>>, vector<1x256xf32>
    %add3A_37 = vector.broadcast %get3A_36 : vector<1x256xf32> to vector<5120x256xf32>
    %add3A_38 = arith.addf %dot_general3A_33, %add3A_37 : vector<5120x256xf32>
    %max3A_39 = arith.constant 0.000000e+00 : f32
    %max3A_40 = vector.broadcast %max3A_39 : f32 to vector<5120x256xf32>
    %max3A_41 = arith.maximumf %add3A_38, %max3A_40 : vector<5120x256xf32>
    %reshape3A_42 = vector.shape_cast %max3A_41 : vector<5120x256xf32> to vector<20x256x256xf32>
    %reduce_max3A = arith.constant dense<0xFF800000> : vector<256x256xf32>
    %reduce_max3A_43 = vector.multi_reduction <maximumf>, %reshape3A_42, %reduce_max3A [0] : vector<20x256x256xf32> to vector<256x256xf32>
    %swap3A = arith.constant 0 : index
    %swap3A_44 = arith.constant 0 : index
    %swap3A_45 = arith.constant 0 : index
    %swap3A_46 = vector.load %arg8[%swap3A, %swap3A_44, %swap3A_45] : memref<1x256x256xf32, #tpu.memory_space<vmem>>, vector<1x256x256xf32>
    %swap3A_47 = vector.shape_cast %swap3A_46 : vector<1x256x256xf32> to vector<256x256xf32>
    %swap3A_48 = vector.shape_cast %reduce_max3A_43 : vector<256x256xf32> to vector<1x256x256xf32>
    tpu.vector_store %arg8[%swap3A, %swap3A_44, %swap3A_45], %swap3A_48 {strides = array<i32>} : memref<1x256x256xf32, #tpu.memory_space<vmem>>, vector<1x256x256xf32>,
    return
  }
  func.func @transform_0(%arg0: i32, %arg1: i32) -> (i32, i32, i32) {
    %c0_i32 = arith.constant 0 : i32
    %c0_i32_0 = arith.constant 0 : i32
    return %arg0, %arg1, %c0_i32 : i32, i32, i32
  }
  func.func @transform_1(%arg0: i32, %arg1: i32) -> (i32, i32, i32, i32) {
    %c0_i32 = arith.constant 0 : i32
    %c0_i32_0 = arith.constant 0 : i32
    %c0_i32_1 = arith.constant 0 : i32
    return %arg0, %c0_i32, %arg1, %c0_i32_0 : i32, i32, i32, i32
  }
  func.func @transform_2(%arg0: i32, %arg1: i32) -> (i32, i32) {
    %c0_i32 = arith.constant 0 : i32
    %c0_i32_0 = arith.constant 0 : i32
    %c0_i32_1 = arith.constant 0 : i32
    return %c0_i32, %c0_i32_0 : i32, i32
  }
  func.func @transform_3(%arg0: i32, %arg1: i32) -> (i32, i32) {
    %c0_i32 = arith.constant 0 : i32
    %c0_i32_0 = arith.constant 0 : i32
    %c0_i32_1 = arith.constant 0 : i32
    return %c0_i32, %c0_i32_0 : i32, i32
  }
  func.func @transform_4(%arg0: i32, %arg1: i32) -> (i32, i32) {
    %c0_i32 = arith.constant 0 : i32
    %c0_i32_0 = arith.constant 0 : i32
    %c0_i32_1 = arith.constant 0 : i32
    return %c0_i32, %c0_i32_0 : i32, i32
  }
  func.func @transform_5(%arg0: i32, %arg1: i32) -> (i32, i32) {
    %c0_i32 = arith.constant 0 : i32
    %c0_i32_0 = arith.constant 0 : i32
    %c0_i32_1 = arith.constant 0 : i32
    return %c0_i32, %c0_i32_0 : i32, i32
  }
  func.func @transform_6(%arg0: i32, %arg1: i32) -> (i32, i32, i32) {
    %c0_i32 = arith.constant 0 : i32
    %c0_i32_0 = arith.constant 0 : i32
    return %arg0, %arg1, %c0_i32 : i32, i32, i32
  }
}

</mosaic_0001>

<sc_bundles>
// kernel: kernel.5.cloned.1.call-start
scs
__scs_entry_jumppad:
0x0: {  	(pc) =	sbr.rel $0x88, $3  }
0x1: {  	(tag) =	ssettag $0x0;
	lr =	simm.s32 $0x1  }
0x2: {  	[smem:$0x3F9C] =	sst lr;
	_ =	strace $0xD0000000  }
0x3: {  	_ = 	snop  }
0x4: {  	_ = 	snop  }
0x5: {  	_ = 	snop  }
0x6: {  	_ = 	snop  }
0x7: {  	_ = 	snop  }
__scs_overlays_trampoline_lowered:
0x8: {  	[smem:$0x3FAB] =	sst s0  }
0x9: {  	[smem:$0x3FAC] =	sst s1  }
0xa: {  	[smem:$0x3FAD] =	sst s2  }
0xb: {  	[smem:$0x3FAE] =	sst s3  }
0xc: {  	[smem:$0x3FAF] =	sst s4  }
0xd: {  	[smem:$0x3FB0] =	sst s5  }
0xe: {  	[smem:$0x3FB1] =	sst s6  }
0xf: {  	[smem:$0x3FB2] =	sst s7  }
0x10: {  	[smem:$0x3FB3] =	sst s8  }
0x11: {  	[smem:$0x3FB4] =	sst s9;
	s0 =	simm.s32 @!p0 $0x0  }
0x12: {  	s1 =	sld [smem:$0x3F9A];
	s0 =	simm.s32 @p0 $0x1  }
0x13: {  	[smem:$0x3FB5] =	sst s0;
	s0 =	simm.s32 @!p1 $0x0  }
0x14: {  	s2 =	sld [smem:$0x3F99];
	s0 =	simm.s32 @p1 $0x1  }
0x15: {  	[smem:$0x3FB6] =	sst s0;
	s0 =	simm.s32 @!p2 $0x0  }
0x16: {  	s3 =	sld [smem:$0x3FDB];
	s0 =	simm.s32 @p2 $0x1  }
0x17: {  	s4 =	simm.s32 $0x1BF5;
	[smem:$0x3FB8] =	sst s0  }
0x18: {  	s0 =	sld [smem:$0x3F9B];
	_ =	swait.ge [sflag:s4], $0x0  }
0x19: {  	s7 =	sld [smem:$0x3F9C]  }
0x1a: {  	s8 =	sadd.s32 $0xFFFFE003, lr  }
0x1b: {  	s9 =	sadd.s32 $0xFFFFFEF7, lr;
	s5 =	simm.s32 $0xFFFFFFFF;
	p2 =	slt.u32 s8, $0xFFFFF086  }
0x1c: {  	p1 =	slt.u32 s9, $0xF7A;
	s5 =	simm.s32 @!p2 $0x0  }
0x1d: {  	s5 =	simm.s32 @p1 $0x1;
	p0 =	seq.s32 s7, s2  }
0x1e: {  	s7 =	smul.u32 @!p0 $0xF7A, s2;
	p2 =	seq.s32 @!p0 s5, $0x0  }
0x1f: {  	s9 =	smul.u32 $0xF7A, s1;
	s8 =	simm.s32 @!p0 $0x1BF5;
	p2 =	por !p2, p0  }
0x20: {  	[sflag:s8] =	ssyncset.s32 @!p0 $0xFFFFF086;
	s6 =	sadd.s32 @!p0 s3, s7;
	s7 =	simm.s32 @!p0 $0x108  }
0x21: {  	s3 =	sadd.s32 s3, s9;
	s6 =	sadd.s32 @!p0 $0x88, s6;
	s7 =	simm.s32 @p2 $0x1082  }
0x22: {  	[simem:s7], [sflag:s8] =	dma.local @!p0 [hbm:s6], $0xF7A  }
0x23: {  	s9 =	sor.u32 $0xD0000000, s2;
	s6 =	simm.s32 $0x108;
	_ =	swait.ge @!p0 [sflag:s8], $0x0  }
0x24: {  	s3 =	sadd.s32 $0x88, s3;
	s6 =	simm.s32 @!p1 $0x1082;
	[sflag:s4] =	ssyncset.s32 $0xFFFFF086  }
0x25: {  	[simem:s6], [sflag:s4] =	dma.local [hbm:s3], $0xF7A  }
0x26: {  	[smem:$0x3F9C] =	sst s1;
	(tag) =	ssettag s2;
	_ =	strace s9  }
0x27: {  	s1 =	sld [smem:$0x3FAC]  }
0x28: {  	s2 =	sld [smem:$0x3FAD]  }
0x29: {  	s4 =	sld [smem:$0x3FAF]  }
0x2a: {  	p0 =	seq.s32 s5, $0x0;
	s5 =	sld [smem:$0x3FB0]  }
0x2b: {  	s6 =	sld [smem:$0x3FB1]  }
0x2c: {  	s7 =	sld [smem:$0x3FB2]  }
0x2d: {  	s3 =	simm.s32 $0x108;
	s8 =	sld [smem:$0x3FB3]  }
0x2e: {  	s3 =	simm.s32 @!p0 $0x1082;
	s9 =	sld [smem:$0x3FB4]  }
0x2f: {  	lr =	sadd.s32 s0, s3;
	s0 =	sld [smem:$0x3FAB]  }
0x30: {  	s3 =	sld [smem:$0x3FAE]  }
0x31: {  	[smem:$0x3FB7] =	sst s10  }
0x32: {  	s10 =	sld [smem:$0x3FB5];
	_ =	sdelay $0x3  }
0x33: {  	p0 =	seq.s32 s10, $0x1;
	s10 =	sld [smem:$0x3FB7];
	_ =	sdelay $0x3  }
0x34: {  	[smem:$0x3FB7] =	sst s10  }
0x35: {  	s10 =	sld [smem:$0x3FB6];
	_ =	sdelay $0x3  }
0x36: {  	p1 =	seq.s32 s10, $0x1;
	s10 =	sld [smem:$0x3FB7];
	_ =	sdelay $0x3  }
0x37: {  	[smem:$0x3FB7] =	sst s10  }
0x38: {  	s10 =	sld [smem:$0x3FB8]  }
0x39: {  	_ = 	snop;
	(pc) =	sbr.ind lr, $3  }
0x3a: {  	_ = 	snop  }
0x3b: {  	_ = 	snop  }
0x3c: {  	p2 =	seq.s32 s10, $0x1;
	s10 =	sld [smem:$0x3FB7]  }
0x3d: {  	_ =	shalt  }
0x3e: {  	_ =	shalt  }
0x3f: {  	_ =	shalt  }
0x40: {  	_ =	shalt  }
0x41: {  	_ =	shalt  }
0x42: {  	_ =	shalt  }
0x43: {  	_ =	shalt  }
0x44: {  	_ =	shalt  }
0x45: {  	_ =	shalt  }
0x46: {  	_ =	shalt  }
0x47: {  	_ =	shalt  }
0x48: {  	_ =	shalt  }
0x49: {  	_ =	shalt  }
0x4a: {  	_ =	shalt  }
0x4b: {  	_ =	shalt  }
0x4c: {  	_ =	shalt  }
0x4d: {  	_ =	shalt  }
0x4e: {  	_ =	shalt  }
0x4f: {  	_ =	shalt  }
0x50: {  	_ =	shalt  }
0x51: {  	_ =	shalt  }
0x52: {  	_ =	shalt  }
0x53: {  	_ =	shalt  }
0x54: {  	_ =	shalt  }
0x55: {  	_ =	shalt  }
0x56: {  	_ =	shalt  }
0x57: {  	_ =	shalt  }
0x58: {  	_ =	shalt  }
0x59: {  	_ =	shalt  }
0x5a: {  	_ =	shalt  }
0x5b: {  	_ =	shalt  }
0x5c: {  	_ =	shalt  }
0x5d: {  	_ =	shalt  }
0x5e: {  	_ =	shalt  }
0x5f: {  	_ =	shalt  }
0x60: {  	_ =	shalt  }
0x61: {  	_ =	shalt  }
0x62: {  	_ =	shalt  }
0x63: {  	_ =	shalt  }
0x64: {  	_ =	shalt  }
0x65: {  	_ =	shalt  }
0x66: {  	_ =	shalt  }
0x67: {  	_ =	shalt  }
0x68: {  	_ =	shalt  }
0x69: {  	_ =	shalt  }
0x6a: {  	_ =	shalt  }
0x6b: {  	_ =	shalt  }
0x6c: {  	_ =	shalt  }
0x6d: {  	_ =	shalt  }
0x6e: {  	_ =	shalt  }
0x6f: {  	_ =	shalt  }
0x70: {  	_ =	shalt  }
0x71: {  	_ =	shalt  }
0x72: {  	_ =	shalt  }
0x73: {  	_ =	shalt  }
0x74: {  	_ =	shalt  }
0x75: {  	_ =	shalt  }
0x76: {  	_ =	shalt  }
0x77: {  	_ =	shalt  }
0x78: {  	_ =	shalt  }
0x79: {  	_ =	shalt  }
0x7a: {  	_ =	shalt  }
0x7b: {  	_ =	shalt  }
0x7c: {  	_ =	shalt  }
0x7d: {  	_ =	shalt  }
0x7e: {  	_ =	shalt  }
0x7f: {  	_ =	shalt  }
0x80: {  	_ =	shalt  }
0x81: {  	_ =	shalt  }
0x82: {  	_ =	shalt  }
0x83: {  	_ =	shalt  }
0x84: {  	_ =	shalt  }
0x85: {  	_ =	shalt  }
0x86: {  	_ =	shalt  }
0x87: {  	_ =	shalt  }
.Lfunc_end0:
.L_simem_size_0:
called_computation_lowered:
.L_overlay_start_0:
0x88: {  	s2 =	sld [smem:$0x3FD9]  }
0x89: {  	s3 =	sld [smem:$0x3FFE];
	_ =	sdelay $0x1  }
0x8a: {  	s1 =	srdreg.scid  }
0x8b: {  	s0 =	sand.u32 $0x1, s1  }
0x8c: {  	s16 =	sshll.u32 s0, $0xA;
	s2 =	sadd.s32 s3, s2  }
0x8d: {  	s2 =	sadd.s32 s2, s16  }
0x8e: {  	[smem:$0x3FC3] =	sst s2  }
0x8f: {  	_ = 	snop  }
0x90: {  	(tm) =	ssettm $0x1  }
0x91: {  	s17 =	sld [smem:$0x3FFB];
	_ =	sdelay $0x3  }
0x92: {  	_ =	strace s17  }
0x93: {  	s2 =	sld [smem:$0x3FFC];
	_ =	sdelay $0x3  }
0x94: {  	_ =	strace s2  }
0x95: {  	s2 =	sld [smem:$0x3FFD];
	_ =	sdelay $0x3  }
0x96: {  	_ =	strace s2  }
0x97: {  	_ =	strace $0x8FFFFFFF  }
0x98: {  	s18 =	sld [smem:$0x3FDB];
	_ =	sdelay $0x1  }
0x99: {  	s19 =	simm.s32 $_scs_section_size  }
0x9a: {  	s4 =	simm.s32 $_size__tile_overlayer_lowered;
	s5 =	simm.s32 $_tile_overlayer_lowered  }
0x9b: {  	s22 =	simm.s32 $0x1BFF;
	s21 =	sshll.u32 s5, $0x1;
	s2 =	sadd.s32 s19, s18  }
0x9c: {  	s6 =	simm.s32 $0x0;
	s20 =	sshll.u32 s4, $0x1;
	s4 =	sadd.s32 s21, s2  }
0x9d: {  	[timem:s6], [sflag:s22] =	dma.local [hbm:s4], s20  }
0x9e: {  	_ =	swait.ge [sflag:s22], s20  }
0x9f: {  	s3 =	ssub.s32 $0x0, s20;
	[sflag:s22] =	ssyncset.done $0x0  }
0xa0: {  	[sflag:s22] =	ssyncadd.s32 s3;
	_ =	sdelay $0x1  }
0xa1: {  	s23 =	simm.s32 $0x1B8B  }
0xa2: {  	_ =	swait.ge [sflag:s23], $0x1  }
0xa3: {  	[sflag:s23] =	ssyncset.done $0x0  }
0xa4: {  	s25 =	simm.s32 $0x1B8E;
	s24 =	sld [smem:$0x3FFE];
	[sflag:s23] =	ssyncadd.s32 $0xFFFFFFFF  }
0xa5: {  	s26 =	simm.s32 $execute0_lowered;
	[smem:$0x3FD2] =	sst s25  }
0xa6: {  	s4 =	sshll.u32 s26, $0x1;
	_ =	strace $0x80000046;
	[dreg:$0x1] =	wrdreg $0xFFFFFFFF  }
0xa7: {  	s28 =	simm.s32 $_size_execute0_lowered;
	s2 =	sadd.s32 s2, s4;
	[dreg:$0x0] =	wrdreg $0x0  }
0xa8: {  	s4 =	sshll.u32 s28, $0x1;
	[dreg:$0x2] =	wrdreg s2  }
0xa9: {  	[dreg:$0x3] =	wrdreg s4  }
0xaa: {  	[dreg:$0x4] =	wrdreg $0xC0  }
0xab: {  	_ =	task [dreg:s6], $0x5FFFF  }
0xac: {  	[dreg:$0x1] =	wrdreg $0xFFFFFFFF  }
0xad: {  	[dreg:$0x0] =	wrdreg $0x60  }
0xae: {  	[dreg:$0x2] =	wrdreg s24  }
0xaf: {  	[dreg:$0x3] =	wrdreg $0x9  }
0xb0: {  	_ =	task.clear_ibuf [dreg:s6], $0x4FFFF;
	_ =	strace $0x90000046  }
0xb1: {  	s29 =	simm.s32 $0x9;
	_ =	strace $0x80000048  }
0xb2: {  	_ =	swait.ge [sflag:s29], $0x1  }
0xb3: {  	[sflag:s29] =	ssyncadd.s32 $0xFFFFFFFF  }
0xb4: {  	_ =	strace $0x90000048  }
0xb5: {  	_ =	sfence  }
0xb6: {  	s30 =	sld [smem:$0x0];
	_ =	sdelay $0x2  }
0xb7: {  	s31 =	sshll.u32 s1, $0xD;
	s1 =	sshrl.u32 s1, $0x2  }
0xb8: {  	s3 =	sand.u32 $0x4000, s31;
	s1 =	sadd.s32 s1, s30  }
0xb9: {  	s0 =	sor.u32 s3, s0;
	s1 =	sshll.u32 s1, $0x11  }
0xba: {  	s0 =	sor.u32 s1, s0  }
0xbb: {  	s0 =	sadd.s32 $0x8F2B, s0  }
0xbc: {  	[sflag:s0] =	ssyncadd.remote.s32 $0x1  }
0xbd: {  	_ =	sfence.sel $0xFFFF  }
0xbe: {  	[dreg:$0x0] =	wrdreg $0xFFFFFFFF;
	(pc) =	sbr.abs _section_cstart, $3  }
0xbf: {  	[dreg:$0x1] =	wrdreg $0xFFFFFFFF  }
0xc0: {  	_ =	task.clear_ibuf [dreg:s6], $0x2FFFF;
	_ =	strace $0x9FFFFFFF  }
0xc1: {  	(tm) =	ssettm $0x7FFFFFFF  }
tec
execute0_lowered:
.L_overlay_start_1:
0x0: {  	(tag) =	ssettag $0x1  }
0x1: {  	s4 =	rddreg [dreg:$0x0];
	s3 =	srdreg.scid  }
0x2: {  	s0 =	rddreg [dreg:$0x1];
	s1 =	stileid.u32;
	s6 =	sand.u32 $0x1, s3  }
0x3: {  	s25 =	sshll.u32 s1, $0x1;
	s7 =	sshrl.u32 s1, $0x1;
	s22 =	smul.u32 $0x140000, s1  }
0x4: {  	s2 =	simm.s32 $0x0;
	s3 =	sor.u32 s6, s25;
	s26 =	smul.u32 $0xFFFFFFEC, s7  }
0x5: {  	[smem:$0x7FF] =	sst s2;
	s8 =	sadd.s32 $0x21200, s4;
	s5 =	smul.u32 $0x5, s3  }
0x6: {  	s14 =	sadd.s32 $0x2D200, s4;
	s10 =	ssub.s32 $0x2, s6;
	s7 =	smul.u32 $0x18, s7  }
0x7: {  	s23 =	smul.u32 $0xA0000, s6;
	s3 =	sadd.s32 $0x1200, s4;
	s9 =	sadd.s32 $0x1, s5  }
0x8: {  	s4 =	sadd.s32 s26, s5;
	s12 =	sadd.s32 $0x2, s5;
	s11 =	sand.u32 $0xFF, s9  }
0x9: {  	s15 =	sadd.s32 $0x3, s5;
	s28 =	sand.u32 $0xFF, s12;
	s11 =	smul.u32 $0xCD, s11  }
0xa: {  	s4 =	sadd.s32 s7, s4;
	s17 =	sand.u32 $0xFF, s15;
	s7 =	smul.u32 $0xCD, s28  }
0xb: {  	s13 =	sshrl.u32 s10, $0x1;
	s30 =	smul.u32 $0xCD, s17;
	s11 =	sshrl.u32 s11, $0xC  }
0xc: {  	_ =	strace $0x80000047;
	s10 =	ssub.s32 s10, s13;
	s29 =	smul.u32 $0xFFFFFFEC, s11  }
0xd: {  	s31 =	sadd.s32 $0x4, s5;
	s7 =	sshrl.u32 s7, $0xC;
	s11 =	smul.u32 $0x18, s11  }
0xe: {  	s4 =	sshll.u32 s4, $0x8;
	s20 =	sshrl.u32 s30, $0xC;
	s16 =	smul.u32 $0xFFFFFFEC, s7  }
0xf: {  	s19 =	sand.u32 $0xFF, s31;
	s4 =	sand.u32 $0x1FFFFF00, s4;
	s13 =	smul.u32 $0xFFFFFFEC, s20  }
0x10: {  	s17 =	simm.s32 $0x800;
	s4 =	sadd.s32 s8, s4;
	s7 =	smul.u32 $0x18, s7  }
0x11: {  	s9 =	sadd.s32 s9, s29;
	s12 =	sadd.s32 s12, s16;
	s13 =	sadd.s32 s15, s13  }
0x12: {  	s16 =	simm.s32 $0x80;
	s18 =	sadd.s32 s11, s9;
	s9 =	smul.u32 $0xCD, s19  }
0x13: {  	s7 =	sadd.s32 s7, s12;
	s11 =	smul.u32 $0x18, s20;
	s19 =	simm.s32 $0x0  }
0x14: {  	s5 =	sshll.u32 s18, $0x8;
	s7 =	sshll.u32 s7, $0x8;
	s9 =	sshrl.u32 s9, $0xC  }
0x15: {  	s18 =	simm.s32 $0x1;
	s5 =	sand.u32 $0x1FFFFF00, s5;
	s21 =	smul.u32 $0xFFFFFFEC, s9  }
0x16: {  	s7 =	sand.u32 $0x1FFFFF00, s7;
	s11 =	sadd.s32 s11, s13;
	s9 =	smul.u32 $0x18, s9  }
0x17: {  	s5 =	sadd.s32 s8, s5;
	s11 =	sshll.u32 s11, $0x8;
	s12 =	sadd.s32 s31, s21  }
0x18: {  	s6 =	sadd.s32 s8, s7;
	s24 =	sand.u32 $0x1FFFFF00, s11;
	s9 =	sadd.s32 s9, s12  }
0x19: {  	s7 =	sadd.s32 s8, s24;
	s12 =	sadd.s32 s23, s22;
	s9 =	sshll.u32 s9, $0x8  }
0x1a: {  	s25 =	sshrl.u32 s12, $0x3;
	s13 =	sadd.s32 $0x20000, s12;
	s28 =	sadd.s32 $0x40000, s12  }
0x1b: {  	s29 =	sadd.s32 $0x60000, s12;
	s30 =	sadd.s32 $0x80000, s12;
	s9 =	sand.u32 $0x1FFFFF00, s9  }
0x1c: {  	s26 =	sshrl.u32 s13, $0x3;
	s13 =	sshrl.u32 s28, $0x3;
	s15 =	sshrl.u32 s29, $0x3  }
0x1d: {  	s31 =	sshrl.u32 s30, $0x3;
	s8 =	sadd.s32 s8, s9;
	s9 =	smax.u32 s10, $0x1  }
0x1e: {  	s10 =	sadd.s32 s25, s14;
	s11 =	sadd.s32 s26, s14;
	s12 =	sadd.s32 s13, s14  }
0x1f: {  	s13 =	sadd.s32 s15, s14;
	s14 =	sadd.s32 s31, s14;
	s15 =	simm.s32 $0x2  }
.LBB2_1:
0x20: {  	[tilespmem:s2], [sflag:$0x2] =	stream.linear.gather [hbm4b:s4+s2], $0x800, $0x38;
	[tilespmem:$0x2800] =	vst v63  }
0x21: {  	_ =	swait.ge [sflag:s15], $0x800  }
0x22: {  	[sflag:s15] =	ssyncset.done $0x0  }
0x23: {  	s20 =	simm.s32 $0x0;
	[sflag:s15] =	ssyncadd.s32 $0xFFFFF800  }
0x24: {  	[tilespmem:s17], [sflag:$0x1] =	stream.indirect.gather [hbm4b:s3+s16], $0x40, s20, s16, $0xb8;
	[tilespmem:$0x2800] =	vst v63  }
0x25: {  	_ =	swait.ge [sflag:s18], $0x2000  }
0x26: {  	[sflag:s18] =	ssyncset.done $0x0  }
0x27: {  	[sflag:s18] =	ssyncadd.s32 $0xFFFFE000  }
0x28: {  	[hbm4b:s10+s2] =	stream.linear.scatter [tilespmem:s17], [sflag:$0x2], $0x2000, $0x38;
	[tilespmem:$0x2800] =	vst v63  }
0x29: {  	s21 =	simm.s32 $0x200;
	_ =	swait.ge [sflag:s15], $0x2000  }
0x2a: {  	s22 =	simm.s32 $0x400;
	s20 =	sadd.s32 $0x400, s10;
	[sflag:s15] =	ssyncset.done $0x0  }
.LBB2_2:
0x2b: {  	s23 =	sshra.s32 s21, $0x2  }
0x2c: {  	[sflag:s15] =	ssyncadd.s32 $0xFFFFE000;
	s21 =	smov.u32 s22;
	s24 =	sadd.s32 $0x200, s22  }
0x2d: {  	[tilespmem:s17], [sflag:$0x1] =	stream.indirect.gather [hbm4b:s3+s16], $0x40, s23, s16, $0xb8;
	[tilespmem:$0x2800] =	vst v63  }
0x2e: {  	p0 =	sne.s32 s22, $0x1E00;
	_ =	swait.ge [sflag:s18], $0x2000  }
.Ltmp0:
0x2f: {  	[sflag:s18] =	ssyncset.done $0x0;
	(pc) =	sbr.rel @p0 .LBB2_2-.Ltmp0, $4  }
0x30: {  	[sflag:s18] =	ssyncadd.s32 $0xFFFFE000  }
0x31: {  	[hbm4b:s20+s2] =	stream.linear.scatter [tilespmem:s17], [sflag:$0x2], $0x2000, $0x38;
	[tilespmem:$0x2800] =	vst v63  }
0x32: {  	_ =	swait.ge [sflag:s15], $0x2000  }
0x33: {  	s22 =	smov.u32 s24;
	s20 =	sadd.s32 $0x400, s20;
	[sflag:s15] =	ssyncset.done $0x0  }
0x34: {  	s21 =	sshra.s32 s21, $0x2;
	[sflag:s15] =	ssyncadd.s32 $0xFFFFE000  }
0x35: {  	[tilespmem:s17], [sflag:$0x1] =	stream.indirect.gather [hbm4b:s3+s16], $0x40, s21, s16, $0xb8;
	[tilespmem:$0x2800] =	vst v63  }
0x36: {  	_ =	swait.ge [sflag:s18], $0x2000  }
0x37: {  	[sflag:s18] =	ssyncset.done $0x0  }
0x38: {  	[sflag:s18] =	ssyncadd.s32 $0xFFFFE000  }
0x39: {  	[hbm4b:s20+s2] =	stream.linear.scatter [tilespmem:s17], [sflag:$0x2], $0x2000, $0x38;
	[tilespmem:$0x2800] =	vst v63  }
0x3a: {  	_ =	swait.ge [sflag:s15], $0x2000  }
0x3b: {  	[sflag:s15] =	ssyncset.done $0x0  }
0x3c: {  	s30 =	simm.s32 $0x0;
	[sflag:s15] =	ssyncadd.s32 $0xFFFFE000  }
0x3d: {  	[tilespmem:s30], [sflag:$0x2] =	stream.linear.gather [hbm4b:s5+s30], $0x800, $0x38;
	[tilespmem:$0x2800] =	vst v63  }
0x3e: {  	_ =	swait.ge [sflag:s15], $0x800  }
0x3f: {  	[sflag:s15] =	ssyncset.done $0x0  }
0x40: {  	s31 =	simm.s32 $0x0;
	[sflag:s15] =	ssyncadd.s32 $0xFFFFF800  }
0x41: {  	[tilespmem:s17], [sflag:$0x1] =	stream.indirect.gather [hbm4b:s3+s16], $0x40, s31, s16, $0xb8;
	[tilespmem:$0x2800] =	vst v63  }
0x42: {  	_ =	swait.ge [sflag:s18], $0x2000  }
0x43: {  	[sflag:s18] =	ssyncset.done $0x0  }
0x44: {  	[sflag:s18] =	ssyncadd.s32 $0xFFFFE000  }
0x45: {  	[hbm4b:s11+s2] =	stream.linear.scatter [tilespmem:s17], [sflag:$0x2], $0x2000, $0x38;
	[tilespmem:$0x2800] =	vst v63  }
0x46: {  	s22 =	simm.s32 $0x400;
	_ =	swait.ge [sflag:s15], $0x2000  }
0x47: {  	s21 =	simm.s32 $0x200;
	s20 =	sadd.s32 $0x400, s11;
	[sflag:s15] =	ssyncset.done $0x0  }
.LBB2_4:
0x48: {  	s23 =	sshra.s32 s21, $0x2  }
0x49: {  	[sflag:s15] =	ssyncadd.s32 $0xFFFFE000;
	s21 =	smov.u32 s22;
	s24 =	sadd.s32 $0x200, s22  }
0x4a: {  	[tilespmem:s17], [sflag:$0x1] =	stream.indirect.gather [hbm4b:s3+s16], $0x40, s23, s16, $0xb8;
	[tilespmem:$0x2800] =	vst v63  }
0x4b: {  	p0 =	sne.s32 s22, $0x1E00;
	_ =	swait.ge [sflag:s18], $0x2000  }
.Ltmp1:
0x4c: {  	[sflag:s18] =	ssyncset.done $0x0;
	(pc) =	sbr.rel @p0 .LBB2_4-.Ltmp1, $4  }
0x4d: {  	[sflag:s18] =	ssyncadd.s32 $0xFFFFE000  }
0x4e: {  	[hbm4b:s20+s2] =	stream.linear.scatter [tilespmem:s17], [sflag:$0x2], $0x2000, $0x38;
	[tilespmem:$0x2800] =	vst v63  }
0x4f: {  	_ =	swait.ge [sflag:s15], $0x2000  }
0x50: {  	s22 =	smov.u32 s24;
	s20 =	sadd.s32 $0x400, s20;
	[sflag:s15] =	ssyncset.done $0x0  }
0x51: {  	s21 =	sshra.s32 s21, $0x2;
	[sflag:s15] =	ssyncadd.s32 $0xFFFFE000  }
0x52: {  	[tilespmem:s17], [sflag:$0x1] =	stream.indirect.gather [hbm4b:s3+s16], $0x40, s21, s16, $0xb8;
	[tilespmem:$0x2800] =	vst v63  }
0x53: {  	_ =	swait.ge [sflag:s18], $0x2000  }
0x54: {  	[sflag:s18] =	ssyncset.done $0x0  }
0x55: {  	[sflag:s18] =	ssyncadd.s32 $0xFFFFE000  }
0x56: {  	[hbm4b:s20+s2] =	stream.linear.scatter [tilespmem:s17], [sflag:$0x2], $0x2000, $0x38;
	[tilespmem:$0x2800] =	vst v63  }
0x57: {  	_ =	swait.ge [sflag:s15], $0x2000  }
0x58: {  	[sflag:s15] =	ssyncset.done $0x0  }
0x59: {  	s30 =	simm.s32 $0x0;
	[sflag:s15] =	ssyncadd.s32 $0xFFFFE000  }
0x5a: {  	[tilespmem:s30], [sflag:$0x2] =	stream.linear.gather [hbm4b:s6+s30], $0x800, $0x38;
	[tilespmem:$0x2800] =	vst v63  }
0x5b: {  	_ =	swait.ge [sflag:s15], $0x800  }
0x5c: {  	[sflag:s15] =	ssyncset.done $0x0  }
0x5d: {  	s31 =	simm.s32 $0x0;
	[sflag:s15] =	ssyncadd.s32 $0xFFFFF800  }
0x5e: {  	[tilespmem:s17], [sflag:$0x1] =	stream.indirect.gather [hbm4b:s3+s16], $0x40, s31, s16, $0xb8;
	[tilespmem:$0x2800] =	vst v63  }
0x5f: {  	_ =	swait.ge [sflag:s18], $0x2000  }
0x60: {  	[sflag:s18] =	ssyncset.done $0x0  }
0x61: {  	[sflag:s18] =	ssyncadd.s32 $0xFFFFE000  }
0x62: {  	[hbm4b:s12+s2] =	stream.linear.scatter [tilespmem:s17], [sflag:$0x2], $0x2000, $0x38;
	[tilespmem:$0x2800] =	vst v63  }
0x63: {  	s22 =	simm.s32 $0x400;
	_ =	swait.ge [sflag:s15], $0x2000  }
0x64: {  	s21 =	simm.s32 $0x200;
	s20 =	sadd.s32 $0x400, s12;
	[sflag:s15] =	ssyncset.done $0x0  }
.LBB2_6:
0x65: {  	s23 =	sshra.s32 s21, $0x2  }
0x66: {  	[sflag:s15] =	ssyncadd.s32 $0xFFFFE000;
	s21 =	smov.u32 s22;
	s24 =	sadd.s32 $0x200, s22  }
0x67: {  	[tilespmem:s17], [sflag:$0x1] =	stream.indirect.gather [hbm4b:s3+s16], $0x40, s23, s16, $0xb8;
	[tilespmem:$0x2800] =	vst v63  }
0x68: {  	p0 =	sne.s32 s22, $0x1E00;
	_ =	swait.ge [sflag:s18], $0x2000  }
.Ltmp2:
0x69: {  	[sflag:s18] =	ssyncset.done $0x0;
	(pc) =	sbr.rel @p0 .LBB2_6-.Ltmp2, $4  }
0x6a: {  	[sflag:s18] =	ssyncadd.s32 $0xFFFFE000  }
0x6b: {  	[hbm4b:s20+s2] =	stream.linear.scatter [tilespmem:s17], [sflag:$0x2], $0x2000, $0x38;
	[tilespmem:$0x2800] =	vst v63  }
0x6c: {  	_ =	swait.ge [sflag:s15], $0x2000  }
0x6d: {  	s22 =	smov.u32 s24;
	s20 =	sadd.s32 $0x400, s20;
	[sflag:s15] =	ssyncset.done $0x0  }
0x6e: {  	s21 =	sshra.s32 s21, $0x2;
	[sflag:s15] =	ssyncadd.s32 $0xFFFFE000  }
0x6f: {  	[tilespmem:s17], [sflag:$0x1] =	stream.indirect.gather [hbm4b:s3+s16], $0x40, s21, s16, $0xb8;
	[tilespmem:$0x2800] =	vst v63  }
0x70: {  	_ =	swait.ge [sflag:s18], $0x2000  }
0x71: {  	[sflag:s18] =	ssyncset.done $0x0  }
0x72: {  	[sflag:s18] =	ssyncadd.s32 $0xFFFFE000  }
0x73: {  	[hbm4b:s20+s2] =	stream.linear.scatter [tilespmem:s17], [sflag:$0x2], $0x2000, $0x38;
	[tilespmem:$0x2800] =	vst v63  }
0x74: {  	_ =	swait.ge [sflag:s15], $0x2000  }
0x75: {  	[sflag:s15] =	ssyncset.done $0x0  }
0x76: {  	s30 =	simm.s32 $0x0;
	[sflag:s15] =	ssyncadd.s32 $0xFFFFE000  }
0x77: {  	[tilespmem:s30], [sflag:$0x2] =	stream.linear.gather [hbm4b:s7+s30], $0x800, $0x38;
	[tilespmem:$0x2800] =	vst v63  }
0x78: {  	_ =	swait.ge [sflag:s15], $0x800  }
0x79: {  	[sflag:s15] =	ssyncset.done $0x0  }
0x7a: {  	s31 =	simm.s32 $0x0;
	[sflag:s15] =	ssyncadd.s32 $0xFFFFF800  }
0x7b: {  	[tilespmem:s17], [sflag:$0x1] =	stream.indirect.gather [hbm4b:s3+s16], $0x40, s31, s16, $0xb8;
	[tilespmem:$0x2800] =	vst v63  }
0x7c: {  	_ =	swait.ge [sflag:s18], $0x2000  }
0x7d: {  	[sflag:s18] =	ssyncset.done $0x0  }
0x7e: {  	[sflag:s18] =	ssyncadd.s32 $0xFFFFE000  }
0x7f: {  	[hbm4b:s13+s2] =	stream.linear.scatter [tilespmem:s17], [sflag:$0x2], $0x2000, $0x38;
	[tilespmem:$0x2800] =	vst v63  }
0x80: {  	s22 =	simm.s32 $0x400;
	_ =	swait.ge [sflag:s15], $0x2000  }
0x81: {  	s21 =	simm.s32 $0x200;
	s20 =	sadd.s32 $0x400, s13;
	[sflag:s15] =	ssyncset.done $0x0  }
.LBB2_8:
0x82: {  	s23 =	sshra.s32 s21, $0x2  }
0x83: {  	[sflag:s15] =	ssyncadd.s32 $0xFFFFE000;
	s21 =	smov.u32 s22;
	s24 =	sadd.s32 $0x200, s22  }
0x84: {  	[tilespmem:s17], [sflag:$0x1] =	stream.indirect.gather [hbm4b:s3+s16], $0x40, s23, s16, $0xb8;
	[tilespmem:$0x2800] =	vst v63  }
0x85: {  	p0 =	sne.s32 s22, $0x1E00;
	_ =	swait.ge [sflag:s18], $0x2000  }
.Ltmp3:
0x86: {  	[sflag:s18] =	ssyncset.done $0x0;
	(pc) =	sbr.rel @p0 .LBB2_8-.Ltmp3, $4  }
0x87: {  	[sflag:s18] =	ssyncadd.s32 $0xFFFFE000  }
0x88: {  	[hbm4b:s20+s2] =	stream.linear.scatter [tilespmem:s17], [sflag:$0x2], $0x2000, $0x38;
	[tilespmem:$0x2800] =	vst v63  }
0x89: {  	_ =	swait.ge [sflag:s15], $0x2000  }
0x8a: {  	s22 =	smov.u32 s24;
	s20 =	sadd.s32 $0x400, s20;
	[sflag:s15] =	ssyncset.done $0x0  }
0x8b: {  	s21 =	sshra.s32 s21, $0x2;
	[sflag:s15] =	ssyncadd.s32 $0xFFFFE000  }
0x8c: {  	[tilespmem:s17], [sflag:$0x1] =	stream.indirect.gather [hbm4b:s3+s16], $0x40, s21, s16, $0xb8;
	[tilespmem:$0x2800] =	vst v63  }
0x8d: {  	_ =	swait.ge [sflag:s18], $0x2000  }
0x8e: {  	[sflag:s18] =	ssyncset.done $0x0  }
0x8f: {  	[sflag:s18] =	ssyncadd.s32 $0xFFFFE000  }
0x90: {  	[hbm4b:s20+s2] =	stream.linear.scatter [tilespmem:s17], [sflag:$0x2], $0x2000, $0x38;
	[tilespmem:$0x2800] =	vst v63  }
0x91: {  	_ =	swait.ge [sflag:s15], $0x2000  }
0x92: {  	[sflag:s15] =	ssyncset.done $0x0  }
0x93: {  	s30 =	simm.s32 $0x0;
	[sflag:s15] =	ssyncadd.s32 $0xFFFFE000  }
0x94: {  	[tilespmem:s30], [sflag:$0x2] =	stream.linear.gather [hbm4b:s8+s30], $0x800, $0x38;
	[tilespmem:$0x2800] =	vst v63  }
0x95: {  	_ =	swait.ge [sflag:s15], $0x800  }
0x96: {  	[sflag:s15] =	ssyncset.done $0x0  }
0x97: {  	s31 =	simm.s32 $0x0;
	[sflag:s15] =	ssyncadd.s32 $0xFFFFF800  }
0x98: {  	[tilespmem:s17], [sflag:$0x1] =	stream.indirect.gather [hbm4b:s3+s16], $0x40, s31, s16, $0xb8;
	[tilespmem:$0x2800] =	vst v63  }
0x99: {  	_ =	swait.ge [sflag:s18], $0x2000  }
0x9a: {  	[sflag:s18] =	ssyncset.done $0x0  }
0x9b: {  	[sflag:s18] =	ssyncadd.s32 $0xFFFFE000  }
0x9c: {  	[hbm4b:s14+s2] =	stream.linear.scatter [tilespmem:s17], [sflag:$0x2], $0x2000, $0x38;
	[tilespmem:$0x2800] =	vst v63  }
0x9d: {  	s22 =	simm.s32 $0x400;
	_ =	swait.ge [sflag:s15], $0x2000  }
0x9e: {  	s21 =	simm.s32 $0x200;
	s20 =	sadd.s32 $0x400, s14;
	[sflag:s15] =	ssyncset.done $0x0  }
.LBB2_10:
0x9f: {  	s23 =	sshra.s32 s21, $0x2  }
0xa0: {  	[sflag:s15] =	ssyncadd.s32 $0xFFFFE000;
	s21 =	smov.u32 s22;
	s24 =	sadd.s32 $0x200, s22  }
0xa1: {  	[tilespmem:s17], [sflag:$0x1] =	stream.indirect.gather [hbm4b:s3+s16], $0x40, s23, s16, $0xb8;
	[tilespmem:$0x2800] =	vst v63  }
0xa2: {  	p0 =	sne.s32 s22, $0x1E00;
	_ =	swait.ge [sflag:s18], $0x2000  }
.Ltmp4:
0xa3: {  	[sflag:s18] =	ssyncset.done $0x0;
	(pc) =	sbr.rel @p0 .LBB2_10-.Ltmp4, $4  }
0xa4: {  	[sflag:s18] =	ssyncadd.s32 $0xFFFFE000  }
0xa5: {  	[hbm4b:s20+s2] =	stream.linear.scatter [tilespmem:s17], [sflag:$0x2], $0x2000, $0x38;
	[tilespmem:$0x2800] =	vst v63  }
0xa6: {  	_ =	swait.ge [sflag:s15], $0x2000  }
0xa7: {  	s22 =	smov.u32 s24;
	s20 =	sadd.s32 $0x400, s20;
	[sflag:s15] =	ssyncset.done $0x0  }
0xa8: {  	s21 =	sshra.s32 s21, $0x2;
	[sflag:s15] =	ssyncadd.s32 $0xFFFFE000  }
0xa9: {  	[tilespmem:s17], [sflag:$0x1] =	stream.indirect.gather [hbm4b:s3+s16], $0x40, s21, s16, $0xb8;
	[tilespmem:$0x2800] =	vst v63  }
0xaa: {  	s19 =	sadd.s32 $0x1, s19;
	_ =	swait.ge [sflag:s18], $0x2000  }
0xab: {  	p0 =	sne.s32 s19, s9;
	[sflag:s18] =	ssyncset.done $0x0  }
.Ltmp5:
0xac: {  	[sflag:s18] =	ssyncadd.s32 $0xFFFFE000;
	(pc) =	sbr.rel @p0 .LBB2_1-.Ltmp5, $4  }
0xad: {  	[hbm4b:s20+s2] =	stream.linear.scatter [tilespmem:s17], [sflag:$0x2], $0x2000, $0x38;
	[tilespmem:$0x2800] =	vst v63  }
0xae: {  	_ =	swait.ge [sflag:s15], $0x2000  }
0xaf: {  	[sflag:s15] =	ssyncset.done $0x0  }
0xb0: {  	[sflag:s15] =	ssyncadd.s32 $0xFFFFE000  }
0xb1: {  	_ =	sfence.sel $0x180000  }
0xb2: {  	[bflag:$0x0] =	sbarrier.arrive $0xFFFF  }
0xb3: {  	p0 =	sne.s32 s1, $0x0;
	_ =	strace $0x90000047  }
0xb4: {  	s0 =	sadd.s32 @!p0 $0x100000, s0;
	[bflag:$0x2] =	sbarrier.arrive $0xFFFF  }
0xb5: {  	[sflag:s0] =	ssyncadd.tile.s32 @!p0 $0x1;
	_ =	shalt  }
.Lfunc_end2:
_tile_overlayer_lowered:
.L_overlay_start_2:
0xb6: {  	(tag) =	ssettag $0x2  }
0xb7: {  	s0 =	rddreg [dreg:$0x0];
	s2 =	stileid.u32  }
0xb8: {  	s1 =	rddreg [dreg:$0x1];
	p0 =	sne.s32 s2, $0x0  }
0xb9: {  	s3 =	rddreg [dreg:$0x2];
	[bflag:$0x3] =	sbarrier.arrive $0xFFFF;
	s2 =	simm.s32 @!p0 $0x1C02  }
0xba: {  	[timem:s3], [sflag:s2] =	dma.local @!p0 [hbm:s0], s1  }
0xbb: {  	s0 =	simm.s32 @!p0 $0x2  }
0xbc: {  	_ =	swait.ge @!p0 [sflag:s0], s1  }
0xbd: {  	s1 =	ssub.s32 @!p0 $0x0, s1;
	[sflag:s0] =	ssyncset.done @!p0 $0x0  }
0xbe: {  	[sflag:s0] =	ssyncadd.s32 @!p0 s1  }
0xbf: {  	[bflag:$0x3] =	sbarrier.arrive $0xFFFF  }
0xc0: {  	_ =	shalt  }

</sc_bundles>
